<compile_context>
chip_gen: v7x
topology: tpu7x:2x2x1
jax: 0.10.2.dev20260603
libtpu: 0.0.44.dev20260713+nightly
codegen_flags: <defaults>
</compile_context>

<pallas_src>
import functools

import jax
import jax.numpy as jnp
from jax import lax
from jax.experimental import pallas as pl
from jax.experimental.pallas import tpu as pltpu
from jax.experimental.pallas import tpu_sc as plsc

def _lane_take(v, idx):
    dnums = lax.GatherDimensionNumbers(
        offset_dims=(), collapsed_slice_dims=(0,), start_index_map=(0,))
    return lax.gather(v, idx[:, None], dnums, slice_sizes=(1,),
                      mode=lax.GatherScatterMode.PROMISE_IN_BOUNDS)


N_NODES = 10000
N_EDGES = 320000
D = 128
DW = D // 2
NC = 2
NS = 16
NW = NC * NS
E_PER_W = N_EDGES // NW
CHUNK = 200
N_CHUNKS = E_PER_W // CHUNK
GRP = 8


def _norm_body(x_ref, o_ref):
    x = x_ref[...]
    n = jnp.sqrt(jnp.sum(x * x, axis=1, keepdims=True))
    o_ref[...] = (x * (1.0 / jnp.maximum(n, 1e-8))).astype(jnp.bfloat16)


def _normalize(x):
    return pl.pallas_call(
        _norm_body,
        out_shape=jax.ShapeDtypeStruct((N_NODES, D), jnp.bfloat16),
    )(x)


def _sc_edge_loss(xn, src, dst, tvec):
    mesh = plsc.VectorSubcoreMesh(core_axis_name="c", subcore_axis_name="s")

    @functools.partial(
        pl.kernel,
        out_type=jax.ShapeDtypeStruct((NW, 16), jnp.float32),
        mesh=mesh,
        compiler_params=pltpu.CompilerParams(needs_layout_passes=False,
                                             use_tc_tiling_on_sc=False),
        scratch_types=[
            pltpu.VMEM((E_PER_W,), jnp.int32),
            pltpu.VMEM((E_PER_W,), jnp.int32),
            pltpu.VMEM((CHUNK, DW), jnp.int32),
            pltpu.VMEM((CHUNK, DW), jnp.int32),
            pltpu.VMEM((CHUNK, DW), jnp.int32),
            pltpu.VMEM((CHUNK, DW), jnp.int32),
            pltpu.VMEM((16,), jnp.float32),
            pltpu.SemaphoreType.DMA,
            pltpu.SemaphoreType.DMA,
            pltpu.SemaphoreType.DMA,
            pltpu.SemaphoreType.DMA,
        ],
    )
    def k(xn_hbm, src_hbm, dst_hbm, tv_hbm, out_hbm,
          src_v, dst_v, a0, a1, b0, b1, st_v, sa0, sa1, sb0, sb1):
        wid = lax.axis_index("c") * NS + lax.axis_index("s")
        base = wid * E_PER_W
        pltpu.sync_copy(src_hbm.at[pl.ds(base, E_PER_W)], src_v)
        pltpu.sync_copy(dst_hbm.at[pl.ds(base, E_PER_W)], dst_v)
        pltpu.sync_copy(tv_hbm, st_v)
        tv = st_v[...]
        lanes = lax.iota(jnp.int32, 16)
        rots = [(lanes + r) & 15 for r in (8, 4, 2, 1)]

        def issue(c, av, bv, sa, sb):
            pltpu.async_copy(xn_hbm.at[src_v.at[pl.ds(c * CHUNK, CHUNK)]], av, sa)
            pltpu.async_copy(xn_hbm.at[dst_v.at[pl.ds(c * CHUNK, CHUNK)]], bv, sb)

        def drain(av, bv, sa, sb):
            pltpu.make_async_copy(xn_hbm.at[pl.ds(0, CHUNK)], av, sa).wait()
            pltpu.make_async_copy(xn_hbm.at[pl.ds(0, CHUNK)], bv, sb).wait()

        def compute(av, bv, acc):
            def grp_body(i, acc2):
                e0 = i * GRP
                s = acc2
                for l in range(GRP):
                    e = e0 + l
                    prods = []
                    for j in range(DW // 16):
                        pa = plsc.bitcast(av[e, pl.ds(16 * j, 16)], jnp.bfloat16)
                        pb = plsc.bitcast(bv[e, pl.ds(16 * j, 16)], jnp.bfloat16)
                        prods.append(pa * pb)
                    p = (prods[0] + prods[1]) + (prods[2] + prods[3])
                    x1, x2 = plsc.unpack(p, format=plsc.PackFormat.INTERLEAVED)
                    v = x1 + x2
                    for r in rots:
                        v = v + _lane_take(v, r)
                    s = s + jnp.maximum(tv - v, 0.0)
                return s

            return lax.fori_loop(0, CHUNK // GRP, grp_body, acc)

        issue(0, a0, b0, sa0, sb0)
        issue(1, a1, b1, sa1, sb1)

        def pair_body(i, acc):
            c0 = 2 * i
            drain(a0, b0, sa0, sb0)
            acc = compute(a0, b0, acc)

            @pl.when(c0 + 2 < N_CHUNKS)
            def _():
                issue(c0 + 2, a0, b0, sa0, sb0)

            drain(a1, b1, sa1, sb1)
            acc = compute(a1, b1, acc)

            @pl.when(c0 + 3 < N_CHUNKS)
            def _():
                issue(c0 + 3, a1, b1, sa1, sb1)

            return acc

        acc = lax.fori_loop(0, N_CHUNKS // 2, pair_body,
                            jnp.zeros((16,), jnp.float32))
        st_v[...] = acc * (1.0 / 16.0)
        pltpu.sync_copy(st_v, out_hbm.at[wid])

    return k(xn, src, dst, tvec)


def kernel(trigger_edge_index, x, thrd):
    ei = trigger_edge_index.astype(jnp.int32)
    xn = _normalize(x.astype(jnp.float32))
    packed = lax.bitcast_convert_type(xn.reshape(N_NODES, DW, 2), jnp.int32)
    tvec = jnp.full((16,), thrd, dtype=jnp.float32)
    partials = _sc_edge_loss(packed, ei[0], ei[1], tvec)
    return jnp.sum(partials) * (1.0 / N_EDGES)

# --- scband reference (transcript-rebuilt; emitter-appended) ---
"""Pipeline reference for scband-homo-loss-38895223833223 (READ-ONLY COPY).

The authoritative reference and input builder live on the scoring server;
editing this copy changes nothing except your own understanding.
"""

import jax, jax.numpy as jnp
import numpy as np

N_NODES = 10000
N_EDGES = 320000
D_FEAT = 128


def setup_inputs(seed: int = 0):
    key = jax.random.key(seed)
    k1, k2 = jax.random.split(key)
    trigger_edge_index = jax.random.randint(k1, (2, N_EDGES), 0, N_NODES)
    x = jax.random.normal(k2, (N_NODES, D_FEAT), dtype=jnp.float32)
    return {"trigger_edge_index": trigger_edge_index, "x": x, "thrd": 1}


def reference(trigger_edge_index, x, thrd):
    # gather endpoint features (SparseCore gather)
    a = jnp.take(x, trigger_edge_index[0], axis=0)
    b = jnp.take(x, trigger_edge_index[1], axis=0)
    # F.cosine_similarity with eps=1e-8: dot / (max(|a|,eps) * max(|b|,eps))
    eps = 1e-8
    na = jnp.maximum(jnp.sqrt(jnp.sum(a * a, axis=-1)), eps)
    nb = jnp.maximum(jnp.sqrt(jnp.sum(b * b, axis=-1)), eps)
    edge_sims = jnp.sum(a * b, axis=-1) / (na * nb)
    loss = jnp.mean(jax.nn.relu(thrd - edge_sims))
    return loss

if __name__ == "__main__":
    import jax
    _d = setup_inputs()
    print(jax.jit(kernel)(*tuple(_d.values())))

</pallas_src>

<mosaic_0001>
#map = affine_map<(d0, d1) -> (0, 0)>
#map1 = affine_map<(d0, d1) -> (0)>
module attributes {stable_mosaic.version = 14 : i64} {
  func.func @k(%arg0: i32, %arg1: i32, %arg2: memref<10000x64xi32, #tpu.memory_space<hbm>>, %arg3: memref<320000xi32, #tpu.memory_space<hbm>>, %arg4: memref<320000xi32, #tpu.memory_space<hbm>>, %arg5: memref<16xf32, #tpu.memory_space<hbm>>, %arg6: memref<32x16xf32, #tpu.memory_space<hbm>>, %arg7: memref<10000xi32, #tpu.memory_space<vmem>>, %arg8: memref<10000xi32, #tpu.memory_space<vmem>>, %arg9: memref<200x64xi32, #tpu.memory_space<vmem>>, %arg10: memref<200x64xi32, #tpu.memory_space<vmem>>, %arg11: memref<200x64xi32, #tpu.memory_space<vmem>>, %arg12: memref<200x64xi32, #tpu.memory_space<vmem>>, %arg13: memref<16xf32, #tpu.memory_space<vmem>>, %arg14: memref<!tpu.dma_semaphore, #tpu.memory_space<semaphore_mem>>, %arg15: memref<!tpu.dma_semaphore, #tpu.memory_space<semaphore_mem>>, %arg16: memref<!tpu.dma_semaphore, #tpu.memory_space<semaphore_mem>>, %arg17: memref<!tpu.dma_semaphore, #tpu.memory_space<semaphore_mem>>) attributes {dimension_semantics = [#tpu.dimension_semantics<core_parallel>, #tpu.dimension_semantics<subcore_parallel>], iteration_bounds = array<i64: 2, 16>, scalar_prefetch = 0 : i64, scratch_operands = 11 : i64, tpu.core_type = #tpu.core_type<sc_vector_subcore>, window_params = [{transform_indices = #map}, {transform_indices = #map1}, {transform_indices = #map1}, {transform_indices = #map1}, {transform_indices = #map}]} {
    %mul3A = arith.constant 16 : i32
    %mul3A_0 = arith.muli %arg0, %mul3A : i32
    %add3A = arith.addi %mul3A_0, %arg1 : i32
    %mul3A_1 = arith.constant 10000 : i32
    %mul3A_2 = arith.muli %add3A, %mul3A_1 : i32
    "tpu.region"() ({
      %run_scoped3A = tpu.sem_alloc : memref<!tpu.dma_semaphore, #tpu.memory_space<semaphore_mem>>
      %dma_start3A_56 = tpu.memref_slice %arg3[%mul3A_2] : memref<320000xi32, #tpu.memory_space<hbm>> -> memref<10000xi32, #tpu.memory_space<hbm>>
      %dma_start3A_57 = tpu.memref_slice %arg3[%mul3A_2] : memref<320000xi32, #tpu.memory_space<hbm>> -> memref<10000xi32, #tpu.memory_space<hbm>>
      tpu.enqueue_dma source(%dma_start3A_57 : memref<10000xi32, #tpu.memory_space<hbm>>) target(%arg7 : memref<10000xi32, #tpu.memory_space<vmem>>) target_semaphore(%run_scoped3A : memref<!tpu.dma_semaphore, #tpu.memory_space<semaphore_mem>>)
      %dma_wait3A = tpu.memref_slice %arg3[%mul3A_2] : memref<320000xi32, #tpu.memory_space<hbm>> -> memref<10000xi32, #tpu.memory_space<hbm>>
      %dma_wait3A_58 = tpu.memref_slice %arg3[%mul3A_2] : memref<320000xi32, #tpu.memory_space<hbm>> -> memref<10000xi32, #tpu.memory_space<hbm>>
      tpu.wait_dma2 semaphore(%run_scoped3A : memref<!tpu.dma_semaphore, #tpu.memory_space<semaphore_mem>>) src(%dma_wait3A_58 : memref<10000xi32, #tpu.memory_space<hbm>>) dst(%arg7 : memref<10000xi32, #tpu.memory_space<vmem>>)
      tpu.yield
    }) : () -> ()
    "tpu.region"() ({
      %run_scoped3A = tpu.sem_alloc : memref<!tpu.dma_semaphore, #tpu.memory_space<semaphore_mem>>
      %dma_start3A_56 = tpu.memref_slice %arg4[%mul3A_2] : memref<320000xi32, #tpu.memory_space<hbm>> -> memref<10000xi32, #tpu.memory_space<hbm>>
      %dma_start3A_57 = tpu.memref_slice %arg4[%mul3A_2] : memref<320000xi32, #tpu.memory_space<hbm>> -> memref<10000xi32, #tpu.memory_space<hbm>>
      tpu.enqueue_dma source(%dma_start3A_57 : memref<10000xi32, #tpu.memory_space<hbm>>) target(%arg8 : memref<10000xi32, #tpu.memory_space<vmem>>) target_semaphore(%run_scoped3A : memref<!tpu.dma_semaphore, #tpu.memory_space<semaphore_mem>>)
      %dma_wait3A = tpu.memref_slice %arg4[%mul3A_2] : memref<320000xi32, #tpu.memory_space<hbm>> -> memref<10000xi32, #tpu.memory_space<hbm>>
      %dma_wait3A_58 = tpu.memref_slice %arg4[%mul3A_2] : memref<320000xi32, #tpu.memory_space<hbm>> -> memref<10000xi32, #tpu.memory_space<hbm>>
      tpu.wait_dma2 semaphore(%run_scoped3A : memref<!tpu.dma_semaphore, #tpu.memory_space<semaphore_mem>>) src(%dma_wait3A_58 : memref<10000xi32, #tpu.memory_space<hbm>>) dst(%arg8 : memref<10000xi32, #tpu.memory_space<vmem>>)
      tpu.yield
    }) : () -> ()
    "tpu.region"() ({
      %run_scoped3A = tpu.sem_alloc : memref<!tpu.dma_semaphore, #tpu.memory_space<semaphore_mem>>
      tpu.enqueue_dma source(%arg5 : memref<16xf32, #tpu.memory_space<hbm>>) target(%arg13 : memref<16xf32, #tpu.memory_space<vmem>>) target_semaphore(%run_scoped3A : memref<!tpu.dma_semaphore, #tpu.memory_space<semaphore_mem>>)
      tpu.wait_dma2 semaphore(%run_scoped3A : memref<!tpu.dma_semaphore, #tpu.memory_space<semaphore_mem>>) src(%arg5 : memref<16xf32, #tpu.memory_space<hbm>>) dst(%arg13 : memref<16xf32, #tpu.memory_space<vmem>>)
      tpu.yield
    }) : () -> ()
    %get3A = arith.constant 0 : index
    %get3A_3 = tpu.vector_load %arg13[%get3A] {strides = array<i32>} : memref<16xf32, #tpu.memory_space<vmem>>, vector<16xf32>,
    %iota3A = tpu.iota {dimensions = array<i32: 0>} : vector<16xi32>
    %add3A_4 = arith.constant 8 : i32
    %add3A_5 = vector.broadcast %add3A_4 : i32 to vector<16xi32>
    %add3A_6 = arith.addi %iota3A, %add3A_5 : vector<16xi32>
    %and3A = arith.constant 15 : i32
    %and3A_7 = vector.broadcast %and3A : i32 to vector<16xi32>
    %and3A_8 = arith.andi %add3A_6, %and3A_7 : vector<16xi32>
    %add3A_9 = arith.constant 4 : i32
    %add3A_10 = vector.broadcast %add3A_9 : i32 to vector<16xi32>
    %add3A_11 = arith.addi %iota3A, %add3A_10 : vector<16xi32>
    %and3A_12 = arith.constant 15 : i32
    %and3A_13 = vector.broadcast %and3A_12 : i32 to vector<16xi32>
    %and3A_14 = arith.andi %add3A_11, %and3A_13 : vector<16xi32>
    %add3A_15 = arith.constant 2 : i32
    %add3A_16 = vector.broadcast %add3A_15 : i32 to vector<16xi32>
    %add3A_17 = arith.addi %iota3A, %add3A_16 : vector<16xi32>
    %and3A_18 = arith.constant 15 : i32
    %and3A_19 = vector.broadcast %and3A_18 : i32 to vector<16xi32>
    %and3A_20 = arith.andi %add3A_17, %and3A_19 : vector<16xi32>
    %add3A_21 = arith.constant 1 : i32
    %add3A_22 = vector.broadcast %add3A_21 : i32 to vector<16xi32>
    %add3A_23 = arith.addi %iota3A, %add3A_22 : vector<16xi32>
    %and3A_24 = arith.constant 15 : i32
    %and3A_25 = vector.broadcast %and3A_24 : i32 to vector<16xi32>
    %and3A_26 = arith.andi %add3A_23, %and3A_25 : vector<16xi32>
    %dma_start3A = arith.constant 0 : i32
    %dma_start3A_27 = tpu.memref_slice %arg7[%dma_start3A] : memref<10000xi32, #tpu.memory_space<vmem>> -> memref<200xi32, #tpu.memory_space<vmem>>
    %dma_start3A_28 = arith.constant 0 : i32
    %dma_start3A_29 = arith.constant 0 : i32
    %dma_start3A_30 = tpu.memref_slice %arg2[%dma_start3A_28, %dma_start3A_29] : memref<10000x64xi32, #tpu.memory_space<hbm>> -> memref<10000x64xi32, #tpu.memory_space<hbm>>
    tpu.enqueue_indirect_dma source(%dma_start3A_30 : memref<10000x64xi32, #tpu.memory_space<hbm>>) target(%arg9 : memref<200x64xi32, #tpu.memory_space<vmem>>) offsets(%dma_start3A_27 : memref<200xi32, #tpu.memory_space<vmem>>) semaphore(%arg14 : memref<!tpu.dma_semaphore, #tpu.memory_space<semaphore_mem>>)
    %dma_start3A_31 = arith.constant 0 : i32
    %dma_start3A_32 = tpu.memref_slice %arg8[%dma_start3A_31] : memref<10000xi32, #tpu.memory_space<vmem>> -> memref<200xi32, #tpu.memory_space<vmem>>
    %dma_start3A_33 = arith.constant 0 : i32
    %dma_start3A_34 = arith.constant 0 : i32
    %dma_start3A_35 = tpu.memref_slice %arg2[%dma_start3A_33, %dma_start3A_34] : memref<10000x64xi32, #tpu.memory_space<hbm>> -> memref<10000x64xi32, #tpu.memory_space<hbm>>
    tpu.enqueue_indirect_dma source(%dma_start3A_35 : memref<10000x64xi32, #tpu.memory_space<hbm>>) target(%arg11 : memref<200x64xi32, #tpu.memory_space<vmem>>) offsets(%dma_start3A_32 : memref<200xi32, #tpu.memory_space<vmem>>) semaphore(%arg16 : memref<!tpu.dma_semaphore, #tpu.memory_space<semaphore_mem>>)
    %dma_start3A_36 = arith.constant 200 : i32
    %dma_start3A_37 = tpu.memref_slice %arg7[%dma_start3A_36] : memref<10000xi32, #tpu.memory_space<vmem>> -> memref<200xi32, #tpu.memory_space<vmem>>
    %dma_start3A_38 = arith.constant 0 : i32
    %dma_start3A_39 = arith.constant 0 : i32
    %dma_start3A_40 = tpu.memref_slice %arg2[%dma_start3A_38, %dma_start3A_39] : memref<10000x64xi32, #tpu.memory_space<hbm>> -> memref<10000x64xi32, #tpu.memory_space<hbm>>
    tpu.enqueue_indirect_dma source(%dma_start3A_40 : memref<10000x64xi32, #tpu.memory_space<hbm>>) target(%arg10 : memref<200x64xi32, #tpu.memory_space<vmem>>) offsets(%dma_start3A_37 : memref<200xi32, #tpu.memory_space<vmem>>) semaphore(%arg15 : memref<!tpu.dma_semaphore, #tpu.memory_space<semaphore_mem>>)
    %dma_start3A_41 = arith.constant 200 : i32
    %dma_start3A_42 = tpu.memref_slice %arg8[%dma_start3A_41] : memref<10000xi32, #tpu.memory_space<vmem>> -> memref<200xi32, #tpu.memory_space<vmem>>
    %dma_start3A_43 = arith.constant 0 : i32
    %dma_start3A_44 = arith.constant 0 : i32
    %dma_start3A_45 = tpu.memref_slice %arg2[%dma_start3A_43, %dma_start3A_44] : memref<10000x64xi32, #tpu.memory_space<hbm>> -> memref<10000x64xi32, #tpu.memory_space<hbm>>
    tpu.enqueue_indirect_dma source(%dma_start3A_45 : memref<10000x64xi32, #tpu.memory_space<hbm>>) target(%arg12 : memref<200x64xi32, #tpu.memory_space<vmem>>) offsets(%dma_start3A_42 : memref<200xi32, #tpu.memory_space<vmem>>) semaphore(%arg17 : memref<!tpu.dma_semaphore, #tpu.memory_space<semaphore_mem>>)
    %broadcast_in_dim3A = arith.constant 0.000000e+00 : f32
    %broadcast_in_dim3A_46 = vector.broadcast %broadcast_in_dim3A : f32 to vector<16xf32>
    %scan3A = arith.constant 0 : i32
    %scan3A_47 = arith.constant 25 : i32
    %scan3A_48 = arith.addi %scan3A, %scan3A_47 : i32
    %scan3A_49 = arith.constant 1 : i32
    %scan3A_50 = scf.for %scan3A_56 = %scan3A to %scan3A_48 step %scan3A_49 iter_args(%scan3A_57 = %broadcast_in_dim3A_46) -> (vector<16xf32>)  : i32 {
      %mul3A_58 = arith.constant 2 : i32
      %mul3A_59 = arith.muli %mul3A_58, %scan3A_56 : i32
      %dma_wait3A = arith.constant 0 : i32
      %dma_wait3A_60 = arith.constant 0 : i32
      %dma_wait3A_61 = tpu.memref_slice %arg2[%dma_wait3A, %dma_wait3A_60] : memref<10000x64xi32, #tpu.memory_space<hbm>> -> memref<200x64xi32, #tpu.memory_space<hbm>>
      %dma_wait3A_62 = arith.constant 0 : i32
      %dma_wait3A_63 = arith.constant 0 : i32
      %dma_wait3A_64 = tpu.memref_slice %arg2[%dma_wait3A_62, %dma_wait3A_63] : memref<10000x64xi32, #tpu.memory_space<hbm>> -> memref<200x64xi32, #tpu.memory_space<hbm>>
      tpu.wait_dma2 semaphore(%arg14 : memref<!tpu.dma_semaphore, #tpu.memory_space<semaphore_mem>>) src(%dma_wait3A_64 : memref<200x64xi32, #tpu.memory_space<hbm>>) dst(%arg9 : memref<200x64xi32, #tpu.memory_space<vmem>>)
      %dma_wait3A_65 = arith.constant 0 : i32
      %dma_wait3A_66 = arith.constant 0 : i32
      %dma_wait3A_67 = tpu.memref_slice %arg2[%dma_wait3A_65, %dma_wait3A_66] : memref<10000x64xi32, #tpu.memory_space<hbm>> -> memref<200x64xi32, #tpu.memory_space<hbm>>
      %dma_wait3A_68 = arith.constant 0 : i32
      %dma_wait3A_69 = arith.constant 0 : i32
      %dma_wait3A_70 = tpu.memref_slice %arg2[%dma_wait3A_68, %dma_wait3A_69] : memref<10000x64xi32, #tpu.memory_space<hbm>> -> memref<200x64xi32, #tpu.memory_space<hbm>>
      tpu.wait_dma2 semaphore(%arg16 : memref<!tpu.dma_semaphore, #tpu.memory_space<semaphore_mem>>) src(%dma_wait3A_70 : memref<200x64xi32, #tpu.memory_space<hbm>>) dst(%arg11 : memref<200x64xi32, #tpu.memory_space<vmem>>)
      %scan3A_71 = arith.constant 0 : i32
      %scan3A_72 = arith.constant 25 : i32
      %scan3A_73 = arith.addi %scan3A_71, %scan3A_72 : i32
      %scan3A_74 = arith.constant 1 : i32
      %scan3A_75 = scf.for %scan3A_106 = %scan3A_71 to %scan3A_73 step %scan3A_74 iter_args(%scan3A_107 = %scan3A_57) -> (vector<16xf32>)  : i32 {
        %mul3A_108 = arith.constant 8 : i32
        %mul3A_109 = arith.muli %scan3A_106, %mul3A_108 : i32
        %add3A_110 = arith.constant 0 : i32
        %add3A_111 = arith.addi %mul3A_109, %add3A_110 : i32
        %get3A_112 = arith.index_cast %add3A_111 : i32 to index
        %get3A_113 = arith.constant 0 : index
        %get3A_114 = tpu.vector_load %arg9[%get3A_112, %get3A_113] {strides = array<i32>} : memref<200x64xi32, #tpu.memory_space<vmem>>, vector<16xi32>,
        %bitcast3A = vector.bitcast %get3A_114 : vector<16xi32> to vector<32xbf16>
        %get3A_115 = arith.index_cast %add3A_111 : i32 to index
        %get3A_116 = arith.constant 0 : index
        %get3A_117 = tpu.vector_load %arg11[%get3A_115, %get3A_116] {strides = array<i32>} : memref<200x64xi32, #tpu.memory_space<vmem>>, vector<16xi32>,
        %bitcast3A_118 = vector.bitcast %get3A_117 : vector<16xi32> to vector<32xbf16>
        %mul3A_119 = arith.mulf %bitcast3A, %bitcast3A_118 : vector<32xbf16>
        %get3A_120 = arith.index_cast %add3A_111 : i32 to index
        %get3A_121 = arith.constant 16 : index
        %get3A_122 = tpu.vector_load %arg9[%get3A_120, %get3A_121] {strides = array<i32>} : memref<200x64xi32, #tpu.memory_space<vmem>>, vector<16xi32>,
        %bitcast3A_123 = vector.bitcast %get3A_122 : vector<16xi32> to vector<32xbf16>
        %get3A_124 = arith.index_cast %add3A_111 : i32 to index
        %get3A_125 = arith.constant 16 : index
        %get3A_126 = tpu.vector_load %arg11[%get3A_124, %get3A_125] {strides = array<i32>} : memref<200x64xi32, #tpu.memory_space<vmem>>, vector<16xi32>,
        %bitcast3A_127 = vector.bitcast %get3A_126 : vector<16xi32> to vector<32xbf16>
        %mul3A_128 = arith.mulf %bitcast3A_123, %bitcast3A_127 : vector<32xbf16>
        %get3A_129 = arith.index_cast %add3A_111 : i32 to index
        %get3A_130 = arith.constant 32 : index
        %get3A_131 = tpu.vector_load %arg9[%get3A_129, %get3A_130] {strides = array<i32>} : memref<200x64xi32, #tpu.memory_space<vmem>>, vector<16xi32>,
        %bitcast3A_132 = vector.bitcast %get3A_131 : vector<16xi32> to vector<32xbf16>
        %get3A_133 = arith.index_cast %add3A_111 : i32 to index
        %get3A_134 = arith.constant 32 : index
        %get3A_135 = tpu.vector_load %arg11[%get3A_133, %get3A_134] {strides = array<i32>} : memref<200x64xi32, #tpu.memory_space<vmem>>, vector<16xi32>,
        %bitcast3A_136 = vector.bitcast %get3A_135 : vector<16xi32> to vector<32xbf16>
        %mul3A_137 = arith.mulf %bitcast3A_132, %bitcast3A_136 : vector<32xbf16>
        %get3A_138 = arith.index_cast %add3A_111 : i32 to index
        %get3A_139 = arith.constant 48 : index
        %get3A_140 = tpu.vector_load %arg9[%get3A_138, %get3A_139] {strides = array<i32>} : memref<200x64xi32, #tpu.memory_space<vmem>>, vector<16xi32>,
        %bitcast3A_141 = vector.bitcast %get3A_140 : vector<16xi32> to vector<32xbf16>
        %get3A_142 = arith.index_cast %add3A_111 : i32 to index
        %get3A_143 = arith.constant 48 : index
        %get3A_144 = tpu.vector_load %arg11[%get3A_142, %get3A_143] {strides = array<i32>} : memref<200x64xi32, #tpu.memory_space<vmem>>, vector<16xi32>,
        %bitcast3A_145 = vector.bitcast %get3A_144 : vector<16xi32> to vector<32xbf16>
        %mul3A_146 = arith.mulf %bitcast3A_141, %bitcast3A_145 : vector<32xbf16>
        %add3A_147 = arith.addf %mul3A_119, %mul3A_128 : vector<32xbf16>
        %add3A_148 = arith.addf %mul3A_137, %mul3A_146 : vector<32xbf16>
        %add3A_149 = arith.addf %add3A_147, %add3A_148 : vector<32xbf16>
        %unpack3A = tpu.unpack_subelements %add3A_149, 0 {pack_format = #tpu.pack_format<interleaved>} : vector<32xbf16> -> vector<16xf32>
        %unpack3A_150 = tpu.unpack_subelements %add3A_149, 1 {pack_format = #tpu.pack_format<interleaved>} : vector<32xbf16> -> vector<16xf32>
        %add3A_151 = arith.addf %unpack3A, %unpack3A_150 : vector<16xf32>
        %broadcast_in_dim3A_152 = vector.shape_cast %and3A_8 : vector<16xi32> to vector<16x1xi32>
        %gather3A = vector.shape_cast %broadcast_in_dim3A_152 : vector<16x1xi32> to vector<16xi32>
        %gather3A_153 = tpu.dynamic_gather %add3A_151[%gather3A] in [0] : vector<16xf32>, vector<16xi32> -> vector<16xf32>
        %add3A_154 = arith.addf %add3A_151, %gather3A_153 : vector<16xf32>
        %broadcast_in_dim3A_155 = vector.shape_cast %and3A_14 : vector<16xi32> to vector<16x1xi32>
        %gather3A_156 = vector.shape_cast %broadcast_in_dim3A_155 : vector<16x1xi32> to vector<16xi32>
        %gather3A_157 = tpu.dynamic_gather %add3A_154[%gather3A_156] in [0] : vector<16xf32>, vector<16xi32> -> vector<16xf32>
        %add3A_158 = arith.addf %add3A_154, %gather3A_157 : vector<16xf32>
        %broadcast_in_dim3A_159 = vector.shape_cast %and3A_20 : vector<16xi32> to vector<16x1xi32>
        %gather3A_160 = vector.shape_cast %broadcast_in_dim3A_159 : vector<16x1xi32> to vector<16xi32>
        %gather3A_161 = tpu.dynamic_gather %add3A_158[%gather3A_160] in [0] : vector<16xf32>, vector<16xi32> -> vector<16xf32>
        %add3A_162 = arith.addf %add3A_158, %gather3A_161 : vector<16xf32>
        %broadcast_in_dim3A_163 = vector.shape_cast %and3A_26 : vector<16xi32> to vector<16x1xi32>
        %gather3A_164 = vector.shape_cast %broadcast_in_dim3A_163 : vector<16x1xi32> to vector<16xi32>
        %gather3A_165 = tpu.dynamic_gather %add3A_162[%gather3A_164] in [0] : vector<16xf32>, vector<16xi32> -> vector<16xf32>
        %add3A_166 = arith.addf %add3A_162, %gather3A_165 : vector<16xf32>
        %sub3A = arith.subf %get3A_3, %add3A_166 : vector<16xf32>
        %max3A = arith.constant 0.000000e+00 : f32
        %max3A_167 = vector.broadcast %max3A : f32 to vector<16xf32>
        %max3A_168 = arith.maximumf %sub3A, %max3A_167 : vector<16xf32>
        %add3A_169 = arith.addf %scan3A_107, %max3A_168 : vector<16xf32>
        %add3A_170 = arith.constant 1 : i32
        %add3A_171 = arith.addi %mul3A_109, %add3A_170 : i32
        %get3A_172 = arith.index_cast %add3A_171 : i32 to index
        %get3A_173 = arith.constant 0 : index
        %get3A_174 = tpu.vector_load %arg9[%get3A_172, %get3A_173] {strides = array<i32>} : memref<200x64xi32, #tpu.memory_space<vmem>>, vector<16xi32>,
        %bitcast3A_175 = vector.bitcast %get3A_174 : vector<16xi32> to vector<32xbf16>
        %get3A_176 = arith.index_cast %add3A_171 : i32 to index
        %get3A_177 = arith.constant 0 : index
        %get3A_178 = tpu.vector_load %arg11[%get3A_176, %get3A_177] {strides = array<i32>} : memref<200x64xi32, #tpu.memory_space<vmem>>, vector<16xi32>,
        %bitcast3A_179 = vector.bitcast %get3A_178 : vector<16xi32> to vector<32xbf16>
        %mul3A_180 = arith.mulf %bitcast3A_175, %bitcast3A_179 : vector<32xbf16>
        %get3A_181 = arith.index_cast %add3A_171 : i32 to index
        %get3A_182 = arith.constant 16 : index
        %get3A_183 = tpu.vector_load %arg9[%get3A_181, %get3A_182] {strides = array<i32>} : memref<200x64xi32, #tpu.memory_space<vmem>>, vector<16xi32>,
        %bitcast3A_184 = vector.bitcast %get3A_183 : vector<16xi32> to vector<32xbf16>
        %get3A_185 = arith.index_cast %add3A_171 : i32 to index
        %get3A_186 = arith.constant 16 : index
        %get3A_187 = tpu.vector_load %arg11[%get3A_185, %get3A_186] {strides = array<i32>} : memref<200x64xi32, #tpu.memory_space<vmem>>, vector<16xi32>,
        %bitcast3A_188 = vector.bitcast %get3A_187 : vector<16xi32> to vector<32xbf16>
        %mul3A_189 = arith.mulf %bitcast3A_184, %bitcast3A_188 : vector<32xbf16>
        %get3A_190 = arith.index_cast %add3A_171 : i32 to index
        %get3A_191 = arith.constant 32 : index
        %get3A_192 = tpu.vector_load %arg9[%get3A_190, %get3A_191] {strides = array<i32>} : memref<200x64xi32, #tpu.memory_space<vmem>>, vector<16xi32>,
        %bitcast3A_193 = vector.bitcast %get3A_192 : vector<16xi32> to vector<32xbf16>
        %get3A_194 = arith.index_cast %add3A_171 : i32 to index
        %get3A_195 = arith.constant 32 : index
        %get3A_196 = tpu.vector_load %arg11[%get3A_194, %get3A_195] {strides = array<i32>} : memref<200x64xi32, #tpu.memory_space<vmem>>, vector<16xi32>,
        %bitcast3A_197 = vector.bitcast %get3A_196 : vector<16xi32> to vector<32xbf16>
        %mul3A_198 = arith.mulf %bitcast3A_193, %bitcast3A_197 : vector<32xbf16>
        %get3A_199 = arith.index_cast %add3A_171 : i32 to index
        %get3A_200 = arith.constant 48 : index
        %get3A_201 = tpu.vector_load %arg9[%get3A_199, %get3A_200] {strides = array<i32>} : memref<200x64xi32, #tpu.memory_space<vmem>>, vector<16xi32>,
        %bitcast3A_202 = vector.bitcast %get3A_201 : vector<16xi32> to vector<32xbf16>
        %get3A_203 = arith.index_cast %add3A_171 : i32 to index
        %get3A_204 = arith.constant 48 : index
        %get3A_205 = tpu.vector_load %arg11[%get3A_203, %get3A_204] {strides = array<i32>} : memref<200x64xi32, #tpu.memory_space<vmem>>, vector<16xi32>,
        %bitcast3A_206 = vector.bitcast %get3A_205 : vector<16xi32> to vector<32xbf16>
        %mul3A_207 = arith.mulf %bitcast3A_202, %bitcast3A_206 : vector<32xbf16>
        %add3A_208 = arith.addf %mul3A_180, %mul3A_189 : vector<32xbf16>
        %add3A_209 = arith.addf %mul3A_198, %mul3A_207 : vector<32xbf16>
        %add3A_210 = arith.addf %add3A_208, %add3A_209 : vector<32xbf16>
        %unpack3A_211 = tpu.unpack_subelements %add3A_210, 0 {pack_format = #tpu.pack_format<interleaved>} : vector<32xbf16> -> vector<16xf32>
        %unpack3A_212 = tpu.unpack_subelements %add3A_210, 1 {pack_format = #tpu.pack_format<interleaved>} : vector<32xbf16> -> vector<16xf32>
        %add3A_213 = arith.addf %unpack3A_211, %unpack3A_212 : vector<16xf32>
        %broadcast_in_dim3A_214 = vector.shape_cast %and3A_8 : vector<16xi32> to vector<16x1xi32>
        %gather3A_215 = vector.shape_cast %broadcast_in_dim3A_214 : vector<16x1xi32> to vector<16xi32>
        %gather3A_216 = tpu.dynamic_gather %add3A_213[%gather3A_215] in [0] : vector<16xf32>, vector<16xi32> -> vector<16xf32>
        %add3A_217 = arith.addf %add3A_213, %gather3A_216 : vector<16xf32>
        %broadcast_in_dim3A_218 = vector.shape_cast %and3A_14 : vector<16xi32> to vector<16x1xi32>
        %gather3A_219 = vector.shape_cast %broadcast_in_dim3A_218 : vector<16x1xi32> to vector<16xi32>
        %gather3A_220 = tpu.dynamic_gather %add3A_217[%gather3A_219] in [0] : vector<16xf32>, vector<16xi32> -> vector<16xf32>
        %add3A_221 = arith.addf %add3A_217, %gather3A_220 : vector<16xf32>
        %broadcast_in_dim3A_222 = vector.shape_cast %and3A_20 : vector<16xi32> to vector<16x1xi32>
        %gather3A_223 = vector.shape_cast %broadcast_in_dim3A_222 : vector<16x1xi32> to vector<16xi32>
        %gather3A_224 = tpu.dynamic_gather %add3A_221[%gather3A_223] in [0] : vector<16xf32>, vector<16xi32> -> vector<16xf32>
        %add3A_225 = arith.addf %add3A_221, %gather3A_224 : vector<16xf32>
        %broadcast_in_dim3A_226 = vector.shape_cast %and3A_26 : vector<16xi32> to vector<16x1xi32>
        %gather3A_227 = vector.shape_cast %broadcast_in_dim3A_226 : vector<16x1xi32> to vector<16xi32>
        %gather3A_228 = tpu.dynamic_gather %add3A_225[%gather3A_227] in [0] : vector<16xf32>, vector<16xi32> -> vector<16xf32>
        %add3A_229 = arith.addf %add3A_225, %gather3A_228 : vector<16xf32>
        %sub3A_230 = arith.subf %get3A_3, %add3A_229 : vector<16xf32>
        %max3A_231 = arith.constant 0.000000e+00 : f32
        %max3A_232 = vector.broadcast %max3A_231 : f32 to vector<16xf32>
        %max3A_233 = arith.maximumf %sub3A_230, %max3A_232 : vector<16xf32>
        %add3A_234 = arith.addf %add3A_169, %max3A_233 : vector<16xf32>
        %add3A_235 = arith.constant 2 : i32
        %add3A_236 = arith.addi %mul3A_109, %add3A_235 : i32
        %get3A_237 = arith.index_cast %add3A_236 : i32 to index
        %get3A_238 = arith.constant 0 : index
        %get3A_239 = tpu.vector_load %arg9[%get3A_237, %get3A_238] {strides = array<i32>} : memref<200x64xi32, #tpu.memory_space<vmem>>, vector<16xi32>,
        %bitcast3A_240 = vector.bitcast %get3A_239 : vector<16xi32> to vector<32xbf16>
        %get3A_241 = arith.index_cast %add3A_236 : i32 to index
        %get3A_242 = arith.constant 0 : index
        %get3A_243 = tpu.vector_load %arg11[%get3A_241, %get3A_242] {strides = array<i32>} : memref<200x64xi32, #tpu.memory_space<vmem>>, vector<16xi32>,
        %bitcast3A_244 = vector.bitcast %get3A_243 : vector<16xi32> to vector<32xbf16>
        %mul3A_245 = arith.mulf %bitcast3A_240, %bitcast3A_244 : vector<32xbf16>
        %get3A_246 = arith.index_cast %add3A_236 : i32 to index
        %get3A_247 = arith.constant 16 : index
        %get3A_248 = tpu.vector_load %arg9[%get3A_246, %get3A_247] {strides = array<i32>} : memref<200x64xi32, #tpu.memory_space<vmem>>, vector<16xi32>,
        %bitcast3A_249 = vector.bitcast %get3A_248 : vector<16xi32> to vector<32xbf16>
        %get3A_250 = arith.index_cast %add3A_236 : i32 to index
        %get3A_251 = arith.constant 16 : index
        %get3A_252 = tpu.vector_load %arg11[%get3A_250, %get3A_251] {strides = array<i32>} : memref<200x64xi32, #tpu.memory_space<vmem>>, vector<16xi32>,
        %bitcast3A_253 = vector.bitcast %get3A_252 : vector<16xi32> to vector<32xbf16>
        %mul3A_254 = arith.mulf %bitcast3A_249, %bitcast3A_253 : vector<32xbf16>
        %get3A_255 = arith.index_cast %add3A_236 : i32 to index
        %get3A_256 = arith.constant 32 : index
        %get3A_257 = tpu.vector_load %arg9[%get3A_255, %get3A_256] {strides = array<i32>} : memref<200x64xi32, #tpu.memory_space<vmem>>, vector<16xi32>,
        %bitcast3A_258 = vector.bitcast %get3A_257 : vector<16xi32> to vector<32xbf16>
        %get3A_259 = arith.index_cast %add3A_236 : i32 to index
        %get3A_260 = arith.constant 32 : index
        %get3A_261 = tpu.vector_load %arg11[%get3A_259, %get3A_260] {strides = array<i32>} : memref<200x64xi32, #tpu.memory_space<vmem>>, vector<16xi32>,
        %bitcast3A_262 = vector.bitcast %get3A_261 : vector<16xi32> to vector<32xbf16>
        %mul3A_263 = arith.mulf %bitcast3A_258, %bitcast3A_262 : vector<32xbf16>
        %get3A_264 = arith.index_cast %add3A_236 : i32 to index
        %get3A_265 = arith.constant 48 : index
        %get3A_266 = tpu.vector_load %arg9[%get3A_264, %get3A_265] {strides = array<i32>} : memref<200x64xi32, #tpu.memory_space<vmem>>, vector<16xi32>,
        %bitcast3A_267 = vector.bitcast %get3A_266 : vector<16xi32> to vector<32xbf16>
        %get3A_268 = arith.index_cast %add3A_236 : i32 to index
        %get3A_269 = arith.constant 48 : index
        %get3A_270 = tpu.vector_load %arg11[%get3A_268, %get3A_269] {strides = array<i32>} : memref<200x64xi32, #tpu.memory_space<vmem>>, vector<16xi32>,
        %bitcast3A_271 = vector.bitcast %get3A_270 : vector<16xi32> to vector<32xbf16>
        %mul3A_272 = arith.mulf %bitcast3A_267, %bitcast3A_271 : vector<32xbf16>
        %add3A_273 = arith.addf %mul3A_245, %mul3A_254 : vector<32xbf16>
        %add3A_274 = arith.addf %mul3A_263, %mul3A_272 : vector<32xbf16>
        %add3A_275 = arith.addf %add3A_273, %add3A_274 : vector<32xbf16>
        %unpack3A_276 = tpu.unpack_subelements %add3A_275, 0 {pack_format = #tpu.pack_format<interleaved>} : vector<32xbf16> -> vector<16xf32>
        %unpack3A_277 = tpu.unpack_subelements %add3A_275, 1 {pack_format = #tpu.pack_format<interleaved>} : vector<32xbf16> -> vector<16xf32>
        %add3A_278 = arith.addf %unpack3A_276, %unpack3A_277 : vector<16xf32>
        %broadcast_in_dim3A_279 = vector.shape_cast %and3A_8 : vector<16xi32> to vector<16x1xi32>
        %gather3A_280 = vector.shape_cast %broadcast_in_dim3A_279 : vector<16x1xi32> to vector<16xi32>
        %gather3A_281 = tpu.dynamic_gather %add3A_278[%gather3A_280] in [0] : vector<16xf32>, vector<16xi32> -> vector<16xf32>
        %add3A_282 = arith.addf %add3A_278, %gather3A_281 : vector<16xf32>
        %broadcast_in_dim3A_283 = vector.shape_cast %and3A_14 : vector<16xi32> to vector<16x1xi32>
        %gather3A_284 = vector.shape_cast %broadcast_in_dim3A_283 : vector<16x1xi32> to vector<16xi32>
        %gather3A_285 = tpu.dynamic_gather %add3A_282[%gather3A_284] in [0] : vector<16xf32>, vector<16xi32> -> vector<16xf32>
        %add3A_286 = arith.addf %add3A_282, %gather3A_285 : vector<16xf32>
        %broadcast_in_dim3A_287 = vector.shape_cast %and3A_20 : vector<16xi32> to vector<16x1xi32>
        %gather3A_288 = vector.shape_cast %broadcast_in_dim3A_287 : vector<16x1xi32> to vector<16xi32>
        %gather3A_289 = tpu.dynamic_gather %add3A_286[%gather3A_288] in [0] : vector<16xf32>, vector<16xi32> -> vector<16xf32>
        %add3A_290 = arith.addf %add3A_286, %gather3A_289 : vector<16xf32>
        %broadcast_in_dim3A_291 = vector.shape_cast %and3A_26 : vector<16xi32> to vector<16x1xi32>
        %gather3A_292 = vector.shape_cast %broadcast_in_dim3A_291 : vector<16x1xi32> to vector<16xi32>
        %gather3A_293 = tpu.dynamic_gather %add3A_290[%gather3A_292] in [0] : vector<16xf32>, vector<16xi32> -> vector<16xf32>
        %add3A_294 = arith.addf %add3A_290, %gather3A_293 : vector<16xf32>
        %sub3A_295 = arith.subf %get3A_3, %add3A_294 : vector<16xf32>
        %max3A_296 = arith.constant 0.000000e+00 : f32
        %max3A_297 = vector.broadcast %max3A_296 : f32 to vector<16xf32>
        %max3A_298 = arith.maximumf %sub3A_295, %max3A_297 : vector<16xf32>
        %add3A_299 = arith.addf %add3A_234, %max3A_298 : vector<16xf32>
        %add3A_300 = arith.constant 3 : i32
        %add3A_301 = arith.addi %mul3A_109, %add3A_300 : i32
        %get3A_302 = arith.index_cast %add3A_301 : i32 to index
        %get3A_303 = arith.constant 0 : index
        %get3A_304 = tpu.vector_load %arg9[%get3A_302, %get3A_303] {strides = array<i32>} : memref<200x64xi32, #tpu.memory_space<vmem>>, vector<16xi32>,
        %bitcast3A_305 = vector.bitcast %get3A_304 : vector<16xi32> to vector<32xbf16>
        %get3A_306 = arith.index_cast %add3A_301 : i32 to index
        %get3A_307 = arith.constant 0 : index
        %get3A_308 = tpu.vector_load %arg11[%get3A_306, %get3A_307] {strides = array<i32>} : memref<200x64xi32, #tpu.memory_space<vmem>>, vector<16xi32>,
        %bitcast3A_309 = vector.bitcast %get3A_308 : vector<16xi32> to vector<32xbf16>
        %mul3A_310 = arith.mulf %bitcast3A_305, %bitcast3A_309 : vector<32xbf16>
        %get3A_311 = arith.index_cast %add3A_301 : i32 to index
        %get3A_312 = arith.constant 16 : index
        %get3A_313 = tpu.vector_load %arg9[%get3A_311, %get3A_312] {strides = array<i32>} : memref<200x64xi32, #tpu.memory_space<vmem>>, vector<16xi32>,
        %bitcast3A_314 = vector.bitcast %get3A_313 : vector<16xi32> to vector<32xbf16>
        %get3A_315 = arith.index_cast %add3A_301 : i32 to index
        %get3A_316 = arith.constant 16 : index
        %get3A_317 = tpu.vector_load %arg11[%get3A_315, %get3A_316] {strides = array<i32>} : memref<200x64xi32, #tpu.memory_space<vmem>>, vector<16xi32>,
        %bitcast3A_318 = vector.bitcast %get3A_317 : vector<16xi32> to vector<32xbf16>
        %mul3A_319 = arith.mulf %bitcast3A_314, %bitcast3A_318 : vector<32xbf16>
        %get3A_320 = arith.index_cast %add3A_301 : i32 to index
        %get3A_321 = arith.constant 32 : index
        %get3A_322 = tpu.vector_load %arg9[%get3A_320, %get3A_321] {strides = array<i32>} : memref<200x64xi32, #tpu.memory_space<vmem>>, vector<16xi32>,
        %bitcast3A_323 = vector.bitcast %get3A_322 : vector<16xi32> to vector<32xbf16>
        %get3A_324 = arith.index_cast %add3A_301 : i32 to index
        %get3A_325 = arith.constant 32 : index
        %get3A_326 = tpu.vector_load %arg11[%get3A_324, %get3A_325] {strides = array<i32>} : memref<200x64xi32, #tpu.memory_space<vmem>>, vector<16xi32>,
        %bitcast3A_327 = vector.bitcast %get3A_326 : vector<16xi32> to vector<32xbf16>
        %mul3A_328 = arith.mulf %bitcast3A_323, %bitcast3A_327 : vector<32xbf16>
        %get3A_329 = arith.index_cast %add3A_301 : i32 to index
        %get3A_330 = arith.constant 48 : index
        %get3A_331 = tpu.vector_load %arg9[%get3A_329, %get3A_330] {strides = array<i32>} : memref<200x64xi32, #tpu.memory_space<vmem>>, vector<16xi32>,
        %bitcast3A_332 = vector.bitcast %get3A_331 : vector<16xi32> to vector<32xbf16>
        %get3A_333 = arith.index_cast %add3A_301 : i32 to index
        %get3A_334 = arith.constant 48 : index
        %get3A_335 = tpu.vector_load %arg11[%get3A_333, %get3A_334] {strides = array<i32>} : memref<200x64xi32, #tpu.memory_space<vmem>>, vector<16xi32>,
        %bitcast3A_336 = vector.bitcast %get3A_335 : vector<16xi32> to vector<32xbf16>
        %mul3A_337 = arith.mulf %bitcast3A_332, %bitcast3A_336 : vector<32xbf16>
        %add3A_338 = arith.addf %mul3A_310, %mul3A_319 : vector<32xbf16>
        %add3A_339 = arith.addf %mul3A_328, %mul3A_337 : vector<32xbf16>
        %add3A_340 = arith.addf %add3A_338, %add3A_339 : vector<32xbf16>
        %unpack3A_341 = tpu.unpack_subelements %add3A_340, 0 {pack_format = #tpu.pack_format<interleaved>} : vector<32xbf16> -> vector<16xf32>
        %unpack3A_342 = tpu.unpack_subelements %add3A_340, 1 {pack_format = #tpu.pack_format<interleaved>} : vector<32xbf16> -> vector<16xf32>
        %add3A_343 = arith.addf %unpack3A_341, %unpack3A_342 : vector<16xf32>
        %broadcast_in_dim3A_344 = vector.shape_cast %and3A_8 : vector<16xi32> to vector<16x1xi32>
        %gather3A_345 = vector.shape_cast %broadcast_in_dim3A_344 : vector<16x1xi32> to vector<16xi32>
        %gather3A_346 = tpu.dynamic_gather %add3A_343[%gather3A_345] in [0] : vector<16xf32>, vector<16xi32> -> vector<16xf32>
        %add3A_347 = arith.addf %add3A_343, %gather3A_346 : vector<16xf32>
        %broadcast_in_dim3A_348 = vector.shape_cast %and3A_14 : vector<16xi32> to vector<16x1xi32>
        %gather3A_349 = vector.shape_cast %broadcast_in_dim3A_348 : vector<16x1xi32> to vector<16xi32>
        %gather3A_350 = tpu.dynamic_gather %add3A_347[%gather3A_349] in [0] : vector<16xf32>, vector<16xi32> -> vector<16xf32>
        %add3A_351 = arith.addf %add3A_347, %gather3A_350 : vector<16xf32>
        %broadcast_in_dim3A_352 = vector.shape_cast %and3A_20 : vector<16xi32> to vector<16x1xi32>
        %gather3A_353 = vector.shape_cast %broadcast_in_dim3A_352 : vector<16x1xi32> to vector<16xi32>
        %gather3A_354 = tpu.dynamic_gather %add3A_351[%gather3A_353] in [0] : vector<16xf32>, vector<16xi32> -> vector<16xf32>
        %add3A_355 = arith.addf %add3A_351, %gather3A_354 : vector<16xf32>
        %broadcast_in_dim3A_356 = vector.shape_cast %and3A_26 : vector<16xi32> to vector<16x1xi32>
        %gather3A_357 = vector.shape_cast %broadcast_in_dim3A_356 : vector<16x1xi32> to vector<16xi32>
        %gather3A_358 = tpu.dynamic_gather %add3A_355[%gather3A_357] in [0] : vector<16xf32>, vector<16xi32> -> vector<16xf32>
        %add3A_359 = arith.addf %add3A_355, %gather3A_358 : vector<16xf32>
        %sub3A_360 = arith.subf %get3A_3, %add3A_359 : vector<16xf32>
        %max3A_361 = arith.constant 0.000000e+00 : f32
        %max3A_362 = vector.broadcast %max3A_361 : f32 to vector<16xf32>
        %max3A_363 = arith.maximumf %sub3A_360, %max3A_362 : vector<16xf32>
        %add3A_364 = arith.addf %add3A_299, %max3A_363 : vector<16xf32>
        %add3A_365 = arith.constant 4 : i32
        %add3A_366 = arith.addi %mul3A_109, %add3A_365 : i32
        %get3A_367 = arith.index_cast %add3A_366 : i32 to index
        %get3A_368 = arith.constant 0 : index
        %get3A_369 = tpu.vector_load %arg9[%get3A_367, %get3A_368] {strides = array<i32>} : memref<200x64xi32, #tpu.memory_space<vmem>>, vector<16xi32>,
        %bitcast3A_370 = vector.bitcast %get3A_369 : vector<16xi32> to vector<32xbf16>
        %get3A_371 = arith.index_cast %add3A_366 : i32 to index
        %get3A_372 = arith.constant 0 : index
        %get3A_373 = tpu.vector_load %arg11[%get3A_371, %get3A_372] {strides = array<i32>} : memref<200x64xi32, #tpu.memory_space<vmem>>, vector<16xi32>,
        %bitcast3A_374 = vector.bitcast %get3A_373 : vector<16xi32> to vector<32xbf16>
        %mul3A_375 = arith.mulf %bitcast3A_370, %bitcast3A_374 : vector<32xbf16>
        %get3A_376 = arith.index_cast %add3A_366 : i32 to index
        %get3A_377 = arith.constant 16 : index
        %get3A_378 = tpu.vector_load %arg9[%get3A_376, %get3A_377] {strides = array<i32>} : memref<200x64xi32, #tpu.memory_space<vmem>>, vector<16xi32>,
        %bitcast3A_379 = vector.bitcast %get3A_378 : vector<16xi32> to vector<32xbf16>
        %get3A_380 = arith.index_cast %add3A_366 : i32 to index
        %get3A_381 = arith.constant 16 : index
        %get3A_382 = tpu.vector_load %arg11[%get3A_380, %get3A_381] {strides = array<i32>} : memref<200x64xi32, #tpu.memory_space<vmem>>, vector<16xi32>,
        %bitcast3A_383 = vector.bitcast %get3A_382 : vector<16xi32> to vector<32xbf16>
        %mul3A_384 = arith.mulf %bitcast3A_379, %bitcast3A_383 : vector<32xbf16>
        %get3A_385 = arith.index_cast %add3A_366 : i32 to index
        %get3A_386 = arith.constant 32 : index
        %get3A_387 = tpu.vector_load %arg9[%get3A_385, %get3A_386] {strides = array<i32>} : memref<200x64xi32, #tpu.memory_space<vmem>>, vector<16xi32>,
        %bitcast3A_388 = vector.bitcast %get3A_387 : vector<16xi32> to vector<32xbf16>
        %get3A_389 = arith.index_cast %add3A_366 : i32 to index
        %get3A_390 = arith.constant 32 : index
        %get3A_391 = tpu.vector_load %arg11[%get3A_389, %get3A_390] {strides = array<i32>} : memref<200x64xi32, #tpu.memory_space<vmem>>, vector<16xi32>,
        %bitcast3A_392 = vector.bitcast %get3A_391 : vector<16xi32> to vector<32xbf16>
        %mul3A_393 = arith.mulf %bitcast3A_388, %bitcast3A_392 : vector<32xbf16>
        %get3A_394 = arith.index_cast %add3A_366 : i32 to index
        %get3A_395 = arith.constant 48 : index
        %get3A_396 = tpu.vector_load %arg9[%get3A_394, %get3A_395] {strides = array<i32>} : memref<200x64xi32, #tpu.memory_space<vmem>>, vector<16xi32>,
        %bitcast3A_397 = vector.bitcast %get3A_396 : vector<16xi32> to vector<32xbf16>
        %get3A_398 = arith.index_cast %add3A_366 : i32 to index
        %get3A_399 = arith.constant 48 : index
        %get3A_400 = tpu.vector_load %arg11[%get3A_398, %get3A_399] {strides = array<i32>} : memref<200x64xi32, #tpu.memory_space<vmem>>, vector<16xi32>,
        %bitcast3A_401 = vector.bitcast %get3A_400 : vector<16xi32> to vector<32xbf16>
        %mul3A_402 = arith.mulf %bitcast3A_397, %bitcast3A_401 : vector<32xbf16>
        %add3A_403 = arith.addf %mul3A_375, %mul3A_384 : vector<32xbf16>
        %add3A_404 = arith.addf %mul3A_393, %mul3A_402 : vector<32xbf16>
        %add3A_405 = arith.addf %add3A_403, %add3A_404 : vector<32xbf16>
        %unpack3A_406 = tpu.unpack_subelements %add3A_405, 0 {pack_format = #tpu.pack_format<interleaved>} : vector<32xbf16> -> vector<16xf32>
        %unpack3A_407 = tpu.unpack_subelements %add3A_405, 1 {pack_format = #tpu.pack_format<interleaved>} : vector<32xbf16> -> vector<16xf32>
        %add3A_408 = arith.addf %unpack3A_406, %unpack3A_407 : vector<16xf32>
        %broadcast_in_dim3A_409 = vector.shape_cast %and3A_8 : vector<16xi32> to vector<16x1xi32>
        %gather3A_410 = vector.shape_cast %broadcast_in_dim3A_409 : vector<16x1xi32> to vector<16xi32>
        %gather3A_411 = tpu.dynamic_gather %add3A_408[%gather3A_410] in [0] : vector<16xf32>, vector<16xi32> -> vector<16xf32>
        %add3A_412 = arith.addf %add3A_408, %gather3A_411 : vector<16xf32>
        %broadcast_in_dim3A_413 = vector.shape_cast %and3A_14 : vector<16xi32> to vector<16x1xi32>
        %gather3A_414 = vector.shape_cast %broadcast_in_dim3A_413 : vector<16x1xi32> to vector<16xi32>
        %gather3A_415 = tpu.dynamic_gather %add3A_412[%gather3A_414] in [0] : vector<16xf32>, vector<16xi32> -> vector<16xf32>
        %add3A_416 = arith.addf %add3A_412, %gather3A_415 : vector<16xf32>
        %broadcast_in_dim3A_417 = vector.shape_cast %and3A_20 : vector<16xi32> to vector<16x1xi32>
        %gather3A_418 = vector.shape_cast %broadcast_in_dim3A_417 : vector<16x1xi32> to vector<16xi32>
        %gather3A_419 = tpu.dynamic_gather %add3A_416[%gather3A_418] in [0] : vector<16xf32>, vector<16xi32> -> vector<16xf32>
        %add3A_420 = arith.addf %add3A_416, %gather3A_419 : vector<16xf32>
        %broadcast_in_dim3A_421 = vector.shape_cast %and3A_26 : vector<16xi32> to vector<16x1xi32>
        %gather3A_422 = vector.shape_cast %broadcast_in_dim3A_421 : vector<16x1xi32> to vector<16xi32>
        %gather3A_423 = tpu.dynamic_gather %add3A_420[%gather3A_422] in [0] : vector<16xf32>, vector<16xi32> -> vector<16xf32>
        %add3A_424 = arith.addf %add3A_420, %gather3A_423 : vector<16xf32>
        %sub3A_425 = arith.subf %get3A_3, %add3A_424 : vector<16xf32>
        %max3A_426 = arith.constant 0.000000e+00 : f32
        %max3A_427 = vector.broadcast %max3A_426 : f32 to vector<16xf32>
        %max3A_428 = arith.maximumf %sub3A_425, %max3A_427 : vector<16xf32>
        %add3A_429 = arith.addf %add3A_364, %max3A_428 : vector<16xf32>
        %add3A_430 = arith.constant 5 : i32
        %add3A_431 = arith.addi %mul3A_109, %add3A_430 : i32
        %get3A_432 = arith.index_cast %add3A_431 : i32 to index
        %get3A_433 = arith.constant 0 : index
        %get3A_434 = tpu.vector_load %arg9[%get3A_432, %get3A_433] {strides = array<i32>} : memref<200x64xi32, #tpu.memory_space<vmem>>, vector<16xi32>,
        %bitcast3A_435 = vector.bitcast %get3A_434 : vector<16xi32> to vector<32xbf16>
        %get3A_436 = arith.index_cast %add3A_431 : i32 to index
        %get3A_437 = arith.constant 0 : index
        %get3A_438 = tpu.vector_load %arg11[%get3A_436, %get3A_437] {strides = array<i32>} : memref<200x64xi32, #tpu.memory_space<vmem>>, vector<16xi32>,
        %bitcast3A_439 = vector.bitcast %get3A_438 : vector<16xi32> to vector<32xbf16>
        %mul3A_440 = arith.mulf %bitcast3A_435, %bitcast3A_439 : vector<32xbf16>
        %get3A_441 = arith.index_cast %add3A_431 : i32 to index
        %get3A_442 = arith.constant 16 : index
        %get3A_443 = tpu.vector_load %arg9[%get3A_441, %get3A_442] {strides = array<i32>} : memref<200x64xi32, #tpu.memory_space<vmem>>, vector<16xi32>,
        %bitcast3A_444 = vector.bitcast %get3A_443 : vector<16xi32> to vector<32xbf16>
        %get3A_445 = arith.index_cast %add3A_431 : i32 to index
        %get3A_446 = arith.constant 16 : index
        %get3A_447 = tpu.vector_load %arg11[%get3A_445, %get3A_446] {strides = array<i32>} : memref<200x64xi32, #tpu.memory_space<vmem>>, vector<16xi32>,
        %bitcast3A_448 = vector.bitcast %get3A_447 : vector<16xi32> to vector<32xbf16>
        %mul3A_449 = arith.mulf %bitcast3A_444, %bitcast3A_448 : vector<32xbf16>
        %get3A_450 = arith.index_cast %add3A_431 : i32 to index
        %get3A_451 = arith.constant 32 : index
        %get3A_452 = tpu.vector_load %arg9[%get3A_450, %get3A_451] {strides = array<i32>} : memref<200x64xi32, #tpu.memory_space<vmem>>, vector<16xi32>,
        %bitcast3A_453 = vector.bitcast %get3A_452 : vector<16xi32> to vector<32xbf16>
        %get3A_454 = arith.index_cast %add3A_431 : i32 to index
        %get3A_455 = arith.constant 32 : index
        %get3A_456 = tpu.vector_load %arg11[%get3A_454, %get3A_455] {strides = array<i32>} : memref<200x64xi32, #tpu.memory_space<vmem>>, vector<16xi32>,
        %bitcast3A_457 = vector.bitcast %get3A_456 : vector<16xi32> to vector<32xbf16>
        %mul3A_458 = arith.mulf %bitcast3A_453, %bitcast3A_457 : vector<32xbf16>
        %get3A_459 = arith.index_cast %add3A_431 : i32 to index
        %get3A_460 = arith.constant 48 : index
        %get3A_461 = tpu.vector_load %arg9[%get3A_459, %get3A_460] {strides = array<i32>} : memref<200x64xi32, #tpu.memory_space<vmem>>, vector<16xi32>,
        %bitcast3A_462 = vector.bitcast %get3A_461 : vector<16xi32> to vector<32xbf16>
        %get3A_463 = arith.index_cast %add3A_431 : i32 to index
        %get3A_464 = arith.constant 48 : index
        %get3A_465 = tpu.vector_load %arg11[%get3A_463, %get3A_464] {strides = array<i32>} : memref<200x64xi32, #tpu.memory_space<vmem>>, vector<16xi32>,
        %bitcast3A_466 = vector.bitcast %get3A_465 : vector<16xi32> to vector<32xbf16>
        %mul3A_467 = arith.mulf %bitcast3A_462, %bitcast3A_466 : vector<32xbf16>
        %add3A_468 = arith.addf %mul3A_440, %mul3A_449 : vector<32xbf16>
        %add3A_469 = arith.addf %mul3A_458, %mul3A_467 : vector<32xbf16>
        %add3A_470 = arith.addf %add3A_468, %add3A_469 : vector<32xbf16>
        %unpack3A_471 = tpu.unpack_subelements %add3A_470, 0 {pack_format = #tpu.pack_format<interleaved>} : vector<32xbf16> -> vector<16xf32>
        %unpack3A_472 = tpu.unpack_subelements %add3A_470, 1 {pack_format = #tpu.pack_format<interleaved>} : vector<32xbf16> -> vector<16xf32>
        %add3A_473 = arith.addf %unpack3A_471, %unpack3A_472 : vector<16xf32>
        %broadcast_in_dim3A_474 = vector.shape_cast %and3A_8 : vector<16xi32> to vector<16x1xi32>
        %gather3A_475 = vector.shape_cast %broadcast_in_dim3A_474 : vector<16x1xi32> to vector<16xi32>
        %gather3A_476 = tpu.dynamic_gather %add3A_473[%gather3A_475] in [0] : vector<16xf32>, vector<16xi32> -> vector<16xf32>
        %add3A_477 = arith.addf %add3A_473, %gather3A_476 : vector<16xf32>
        %broadcast_in_dim3A_478 = vector.shape_cast %and3A_14 : vector<16xi32> to vector<16x1xi32>
        %gather3A_479 = vector.shape_cast %broadcast_in_dim3A_478 : vector<16x1xi32> to vector<16xi32>
        %gather3A_480 = tpu.dynamic_gather %add3A_477[%gather3A_479] in [0] : vector<16xf32>, vector<16xi32> -> vector<16xf32>
        %add3A_481 = arith.addf %add3A_477, %gather3A_480 : vector<16xf32>
        %broadcast_in_dim3A_482 = vector.shape_cast %and3A_20 : vector<16xi32> to vector<16x1xi32>
        %gather3A_483 = vector.shape_cast %broadcast_in_dim3A_482 : vector<16x1xi32> to vector<16xi32>
        %gather3A_484 = tpu.dynamic_gather %add3A_481[%gather3A_483] in [0] : vector<16xf32>, vector<16xi32> -> vector<16xf32>
        %add3A_485 = arith.addf %add3A_481, %gather3A_484 : vector<16xf32>
        %broadcast_in_dim3A_486 = vector.shape_cast %and3A_26 : vector<16xi32> to vector<16x1xi32>
        %gather3A_487 = vector.shape_cast %broadcast_in_dim3A_486 : vector<16x1xi32> to vector<16xi32>
        %gather3A_488 = tpu.dynamic_gather %add3A_485[%gather3A_487] in [0] : vector<16xf32>, vector<16xi32> -> vector<16xf32>
        %add3A_489 = arith.addf %add3A_485, %gather3A_488 : vector<16xf32>
        %sub3A_490 = arith.subf %get3A_3, %add3A_489 : vector<16xf32>
        %max3A_491 = arith.constant 0.000000e+00 : f32
        %max3A_492 = vector.broadcast %max3A_491 : f32 to vector<16xf32>
        %max3A_493 = arith.maximumf %sub3A_490, %max3A_492 : vector<16xf32>
        %add3A_494 = arith.addf %add3A_429, %max3A_493 : vector<16xf32>
        %add3A_495 = arith.constant 6 : i32
        %add3A_496 = arith.addi %mul3A_109, %add3A_495 : i32
        %get3A_497 = arith.index_cast %add3A_496 : i32 to index
        %get3A_498 = arith.constant 0 : index
        %get3A_499 = tpu.vector_load %arg9[%get3A_497, %get3A_498] {strides = array<i32>} : memref<200x64xi32, #tpu.memory_space<vmem>>, vector<16xi32>,
        %bitcast3A_500 = vector.bitcast %get3A_499 : vector<16xi32> to vector<32xbf16>
        %get3A_501 = arith.index_cast %add3A_496 : i32 to index
        %get3A_502 = arith.constant 0 : index
        %get3A_503 = tpu.vector_load %arg11[%get3A_501, %get3A_502] {strides = array<i32>} : memref<200x64xi32, #tpu.memory_space<vmem>>, vector<16xi32>,
        %bitcast3A_504 = vector.bitcast %get3A_503 : vector<16xi32> to vector<32xbf16>
        %mul3A_505 = arith.mulf %bitcast3A_500, %bitcast3A_504 : vector<32xbf16>
        %get3A_506 = arith.index_cast %add3A_496 : i32 to index
        %get3A_507 = arith.constant 16 : index
        %get3A_508 = tpu.vector_load %arg9[%get3A_506, %get3A_507] {strides = array<i32>} : memref<200x64xi32, #tpu.memory_space<vmem>>, vector<16xi32>,
        %bitcast3A_509 = vector.bitcast %get3A_508 : vector<16xi32> to vector<32xbf16>
        %get3A_510 = arith.index_cast %add3A_496 : i32 to index
        %get3A_511 = arith.constant 16 : index
        %get3A_512 = tpu.vector_load %arg11[%get3A_510, %get3A_511] {strides = array<i32>} : memref<200x64xi32, #tpu.memory_space<vmem>>, vector<16xi32>,
        %bitcast3A_513 = vector.bitcast %get3A_512 : vector<16xi32> to vector<32xbf16>
        %mul3A_514 = arith.mulf %bitcast3A_509, %bitcast3A_513 : vector<32xbf16>
        %get3A_515 = arith.index_cast %add3A_496 : i32 to index
        %get3A_516 = arith.constant 32 : index
        %get3A_517 = tpu.vector_load %arg9[%get3A_515, %get3A_516] {strides = array<i32>} : memref<200x64xi32, #tpu.memory_space<vmem>>, vector<16xi32>,
        %bitcast3A_518 = vector.bitcast %get3A_517 : vector<16xi32> to vector<32xbf16>
        %get3A_519 = arith.index_cast %add3A_496 : i32 to index
        %get3A_520 = arith.constant 32 : index
        %get3A_521 = tpu.vector_load %arg11[%get3A_519, %get3A_520] {strides = array<i32>} : memref<200x64xi32, #tpu.memory_space<vmem>>, vector<16xi32>,
        %bitcast3A_522 = vector.bitcast %get3A_521 : vector<16xi32> to vector<32xbf16>
        %mul3A_523 = arith.mulf %bitcast3A_518, %bitcast3A_522 : vector<32xbf16>
        %get3A_524 = arith.index_cast %add3A_496 : i32 to index
        %get3A_525 = arith.constant 48 : index
        %get3A_526 = tpu.vector_load %arg9[%get3A_524, %get3A_525] {strides = array<i32>} : memref<200x64xi32, #tpu.memory_space<vmem>>, vector<16xi32>,
        %bitcast3A_527 = vector.bitcast %get3A_526 : vector<16xi32> to vector<32xbf16>
        %get3A_528 = arith.index_cast %add3A_496 : i32 to index
        %get3A_529 = arith.constant 48 : index
        %get3A_530 = tpu.vector_load %arg11[%get3A_528, %get3A_529] {strides = array<i32>} : memref<200x64xi32, #tpu.memory_space<vmem>>, vector<16xi32>,
        %bitcast3A_531 = vector.bitcast %get3A_530 : vector<16xi32> to vector<32xbf16>
        %mul3A_532 = arith.mulf %bitcast3A_527, %bitcast3A_531 : vector<32xbf16>
        %add3A_533 = arith.addf %mul3A_505, %mul3A_514 : vector<32xbf16>
        %add3A_534 = arith.addf %mul3A_523, %mul3A_532 : vector<32xbf16>
        %add3A_535 = arith.addf %add3A_533, %add3A_534 : vector<32xbf16>
        %unpack3A_536 = tpu.unpack_subelements %add3A_535, 0 {pack_format = #tpu.pack_format<interleaved>} : vector<32xbf16> -> vector<16xf32>
        %unpack3A_537 = tpu.unpack_subelements %add3A_535, 1 {pack_format = #tpu.pack_format<interleaved>} : vector<32xbf16> -> vector<16xf32>
        %add3A_538 = arith.addf %unpack3A_536, %unpack3A_537 : vector<16xf32>
        %broadcast_in_dim3A_539 = vector.shape_cast %and3A_8 : vector<16xi32> to vector<16x1xi32>
        %gather3A_540 = vector.shape_cast %broadcast_in_dim3A_539 : vector<16x1xi32> to vector<16xi32>
        %gather3A_541 = tpu.dynamic_gather %add3A_538[%gather3A_540] in [0] : vector<16xf32>, vector<16xi32> -> vector<16xf32>
        %add3A_542 = arith.addf %add3A_538, %gather3A_541 : vector<16xf32>
        %broadcast_in_dim3A_543 = vector.shape_cast %and3A_14 : vector<16xi32> to vector<16x1xi32>
        %gather3A_544 = vector.shape_cast %broadcast_in_dim3A_543 : vector<16x1xi32> to vector<16xi32>
        %gather3A_545 = tpu.dynamic_gather %add3A_542[%gather3A_544] in [0] : vector<16xf32>, vector<16xi32> -> vector<16xf32>
        %add3A_546 = arith.addf %add3A_542, %gather3A_545 : vector<16xf32>
        %broadcast_in_dim3A_547 = vector.shape_cast %and3A_20 : vector<16xi32> to vector<16x1xi32>
        %gather3A_548 = vector.shape_cast %broadcast_in_dim3A_547 : vector<16x1xi32> to vector<16xi32>
        %gather3A_549 = tpu.dynamic_gather %add3A_546[%gather3A_548] in [0] : vector<16xf32>, vector<16xi32> -> vector<16xf32>
        %add3A_550 = arith.addf %add3A_546, %gather3A_549 : vector<16xf32>
        %broadcast_in_dim3A_551 = vector.shape_cast %and3A_26 : vector<16xi32> to vector<16x1xi32>
        %gather3A_552 = vector.shape_cast %broadcast_in_dim3A_551 : vector<16x1xi32> to vector<16xi32>
        %gather3A_553 = tpu.dynamic_gather %add3A_550[%gather3A_552] in [0] : vector<16xf32>, vector<16xi32> -> vector<16xf32>
        %add3A_554 = arith.addf %add3A_550, %gather3A_553 : vector<16xf32>
        %sub3A_555 = arith.subf %get3A_3, %add3A_554 : vector<16xf32>
        %max3A_556 = arith.constant 0.000000e+00 : f32
        %max3A_557 = vector.broadcast %max3A_556 : f32 to vector<16xf32>
        %max3A_558 = arith.maximumf %sub3A_555, %max3A_557 : vector<16xf32>
        %add3A_559 = arith.addf %add3A_494, %max3A_558 : vector<16xf32>
        %add3A_560 = arith.constant 7 : i32
        %add3A_561 = arith.addi %mul3A_109, %add3A_560 : i32
        %get3A_562 = arith.index_cast %add3A_561 : i32 to index
        %get3A_563 = arith.constant 0 : index
        %get3A_564 = tpu.vector_load %arg9[%get3A_562, %get3A_563] {strides = array<i32>} : memref<200x64xi32, #tpu.memory_space<vmem>>, vector<16xi32>,
        %bitcast3A_565 = vector.bitcast %get3A_564 : vector<16xi32> to vector<32xbf16>
        %get3A_566 = arith.index_cast %add3A_561 : i32 to index
        %get3A_567 = arith.constant 0 : index
        %get3A_568 = tpu.vector_load %arg11[%get3A_566, %get3A_567] {strides = array<i32>} : memref<200x64xi32, #tpu.memory_space<vmem>>, vector<16xi32>,
        %bitcast3A_569 = vector.bitcast %get3A_568 : vector<16xi32> to vector<32xbf16>
        %mul3A_570 = arith.mulf %bitcast3A_565, %bitcast3A_569 : vector<32xbf16>
        %get3A_571 = arith.index_cast %add3A_561 : i32 to index
        %get3A_572 = arith.constant 16 : index
        %get3A_573 = tpu.vector_load %arg9[%get3A_571, %get3A_572] {strides = array<i32>} : memref<200x64xi32, #tpu.memory_space<vmem>>, vector<16xi32>,
        %bitcast3A_574 = vector.bitcast %get3A_573 : vector<16xi32> to vector<32xbf16>
        %get3A_575 = arith.index_cast %add3A_561 : i32 to index
        %get3A_576 = arith.constant 16 : index
        %get3A_577 = tpu.vector_load %arg11[%get3A_575, %get3A_576] {strides = array<i32>} : memref<200x64xi32, #tpu.memory_space<vmem>>, vector<16xi32>,
        %bitcast3A_578 = vector.bitcast %get3A_577 : vector<16xi32> to vector<32xbf16>
        %mul3A_579 = arith.mulf %bitcast3A_574, %bitcast3A_578 : vector<32xbf16>
        %get3A_580 = arith.index_cast %add3A_561 : i32 to index
        %get3A_581 = arith.constant 32 : index
        %get3A_582 = tpu.vector_load %arg9[%get3A_580, %get3A_581] {strides = array<i32>} : memref<200x64xi32, #tpu.memory_space<vmem>>, vector<16xi32>,
        %bitcast3A_583 = vector.bitcast %get3A_582 : vector<16xi32> to vector<32xbf16>
        %get3A_584 = arith.index_cast %add3A_561 : i32 to index
        %get3A_585 = arith.constant 32 : index
        %get3A_586 = tpu.vector_load %arg11[%get3A_584, %get3A_585] {strides = array<i32>} : memref<200x64xi32, #tpu.memory_space<vmem>>, vector<16xi32>,
        %bitcast3A_587 = vector.bitcast %get3A_586 : vector<16xi32> to vector<32xbf16>
        %mul3A_588 = arith.mulf %bitcast3A_583, %bitcast3A_587 : vector<32xbf16>
        %get3A_589 = arith.index_cast %add3A_561 : i32 to index
        %get3A_590 = arith.constant 48 : index
        %get3A_591 = tpu.vector_load %arg9[%get3A_589, %get3A_590] {strides = array<i32>} : memref<200x64xi32, #tpu.memory_space<vmem>>, vector<16xi32>,
        %bitcast3A_592 = vector.bitcast %get3A_591 : vector<16xi32> to vector<32xbf16>
        %get3A_593 = arith.index_cast %add3A_561 : i32 to index
        %get3A_594 = arith.constant 48 : index
        %get3A_595 = tpu.vector_load %arg11[%get3A_593, %get3A_594] {strides = array<i32>} : memref<200x64xi32, #tpu.memory_space<vmem>>, vector<16xi32>,
        %bitcast3A_596 = vector.bitcast %get3A_595 : vector<16xi32> to vector<32xbf16>
        %mul3A_597 = arith.mulf %bitcast3A_592, %bitcast3A_596 : vector<32xbf16>
        %add3A_598 = arith.addf %mul3A_570, %mul3A_579 : vector<32xbf16>
        %add3A_599 = arith.addf %mul3A_588, %mul3A_597 : vector<32xbf16>
        %add3A_600 = arith.addf %add3A_598, %add3A_599 : vector<32xbf16>
        %unpack3A_601 = tpu.unpack_subelements %add3A_600, 0 {pack_format = #tpu.pack_format<interleaved>} : vector<32xbf16> -> vector<16xf32>
        %unpack3A_602 = tpu.unpack_subelements %add3A_600, 1 {pack_format = #tpu.pack_format<interleaved>} : vector<32xbf16> -> vector<16xf32>
        %add3A_603 = arith.addf %unpack3A_601, %unpack3A_602 : vector<16xf32>
        %broadcast_in_dim3A_604 = vector.shape_cast %and3A_8 : vector<16xi32> to vector<16x1xi32>
        %gather3A_605 = vector.shape_cast %broadcast_in_dim3A_604 : vector<16x1xi32> to vector<16xi32>
        %gather3A_606 = tpu.dynamic_gather %add3A_603[%gather3A_605] in [0] : vector<16xf32>, vector<16xi32> -> vector<16xf32>
        %add3A_607 = arith.addf %add3A_603, %gather3A_606 : vector<16xf32>
        %broadcast_in_dim3A_608 = vector.shape_cast %and3A_14 : vector<16xi32> to vector<16x1xi32>
        %gather3A_609 = vector.shape_cast %broadcast_in_dim3A_608 : vector<16x1xi32> to vector<16xi32>
        %gather3A_610 = tpu.dynamic_gather %add3A_607[%gather3A_609] in [0] : vector<16xf32>, vector<16xi32> -> vector<16xf32>
        %add3A_611 = arith.addf %add3A_607, %gather3A_610 : vector<16xf32>
        %broadcast_in_dim3A_612 = vector.shape_cast %and3A_20 : vector<16xi32> to vector<16x1xi32>
        %gather3A_613 = vector.shape_cast %broadcast_in_dim3A_612 : vector<16x1xi32> to vector<16xi32>
        %gather3A_614 = tpu.dynamic_gather %add3A_611[%gather3A_613] in [0] : vector<16xf32>, vector<16xi32> -> vector<16xf32>
        %add3A_615 = arith.addf %add3A_611, %gather3A_614 : vector<16xf32>
        %broadcast_in_dim3A_616 = vector.shape_cast %and3A_26 : vector<16xi32> to vector<16x1xi32>
        %gather3A_617 = vector.shape_cast %broadcast_in_dim3A_616 : vector<16x1xi32> to vector<16xi32>
        %gather3A_618 = tpu.dynamic_gather %add3A_615[%gather3A_617] in [0] : vector<16xf32>, vector<16xi32> -> vector<16xf32>
        %add3A_619 = arith.addf %add3A_615, %gather3A_618 : vector<16xf32>
        %sub3A_620 = arith.subf %get3A_3, %add3A_619 : vector<16xf32>
        %max3A_621 = arith.constant 0.000000e+00 : f32
        %max3A_622 = vector.broadcast %max3A_621 : f32 to vector<16xf32>
        %max3A_623 = arith.maximumf %sub3A_620, %max3A_622 : vector<16xf32>
        %add3A_624 = arith.addf %add3A_559, %max3A_623 : vector<16xf32>
        scf.yield %add3A_624 : vector<16xf32>
      }
      %scan3A_76 = arith.constant 25 : i32
      %add3A_77 = arith.constant 2 : i32
      %add3A_78 = arith.addi %mul3A_59, %add3A_77 : i32
      %lt3A = arith.constant 50 : i32
      %lt3A_79 = arith.cmpi slt, %add3A_78, %lt3A : i32
      %convert_element_type3A = arith.extui %lt3A_79 : i1 to i32
      %cond3A = arith.constant 0 : i32
      %cond3A_80 = arith.cmpi ne, %convert_element_type3A, %cond3A : i32
      scf.if %cond3A_80 {
        %add3A_106 = arith.constant 2 : i32
        %add3A_107 = arith.addi %mul3A_59, %add3A_106 : i32
        %mul3A_108 = arith.constant 200 : i32
        %mul3A_109 = arith.muli %add3A_107, %mul3A_108 : i32
        %dma_start3A_110 = tpu.memref_slice %arg7[%mul3A_109] : memref<10000xi32, #tpu.memory_space<vmem>> -> memref<200xi32, #tpu.memory_space<vmem>>
        %dma_start3A_111 = arith.constant 0 : i32
        %dma_start3A_112 = arith.constant 0 : i32
        %dma_start3A_113 = tpu.memref_slice %arg2[%dma_start3A_111, %dma_start3A_112] : memref<10000x64xi32, #tpu.memory_space<hbm>> -> memref<10000x64xi32, #tpu.memory_space<hbm>>
        tpu.enqueue_indirect_dma source(%dma_start3A_113 : memref<10000x64xi32, #tpu.memory_space<hbm>>) target(%arg9 : memref<200x64xi32, #tpu.memory_space<vmem>>) offsets(%dma_start3A_110 : memref<200xi32, #tpu.memory_space<vmem>>) semaphore(%arg14 : memref<!tpu.dma_semaphore, #tpu.memory_space<semaphore_mem>>)
        %mul3A_114 = arith.constant 200 : i32
        %mul3A_115 = arith.muli %add3A_107, %mul3A_114 : i32
        %dma_start3A_116 = tpu.memref_slice %arg8[%mul3A_115] : memref<10000xi32, #tpu.memory_space<vmem>> -> memref<200xi32, #tpu.memory_space<vmem>>
        %dma_start3A_117 = arith.constant 0 : i32
        %dma_start3A_118 = arith.constant 0 : i32
        %dma_start3A_119 = tpu.memref_slice %arg2[%dma_start3A_117, %dma_start3A_118] : memref<10000x64xi32, #tpu.memory_space<hbm>> -> memref<10000x64xi32, #tpu.memory_space<hbm>>
        tpu.enqueue_indirect_dma source(%dma_start3A_119 : memref<10000x64xi32, #tpu.memory_space<hbm>>) target(%arg11 : memref<200x64xi32, #tpu.memory_space<vmem>>) offsets(%dma_start3A_116 : memref<200xi32, #tpu.memory_space<vmem>>) semaphore(%arg16 : memref<!tpu.dma_semaphore, #tpu.memory_space<semaphore_mem>>)
      } else {
      }
      %dma_wait3A_81 = arith.constant 0 : i32
      %dma_wait3A_82 = arith.constant 0 : i32
      %dma_wait3A_83 = tpu.memref_slice %arg2[%dma_wait3A_81, %dma_wait3A_82] : memref<10000x64xi32, #tpu.memory_space<hbm>> -> memref<200x64xi32, #tpu.memory_space<hbm>>
      %dma_wait3A_84 = arith.constant 0 : i32
      %dma_wait3A_85 = arith.constant 0 : i32
      %dma_wait3A_86 = tpu.memref_slice %arg2[%dma_wait3A_84, %dma_wait3A_85] : memref<10000x64xi32, #tpu.memory_space<hbm>> -> memref<200x64xi32, #tpu.memory_space<hbm>>
      tpu.wait_dma2 semaphore(%arg15 : memref<!tpu.dma_semaphore, #tpu.memory_space<semaphore_mem>>) src(%dma_wait3A_86 : memref<200x64xi32, #tpu.memory_space<hbm>>) dst(%arg10 : memref<200x64xi32, #tpu.memory_space<vmem>>)
      %dma_wait3A_87 = arith.constant 0 : i32
      %dma_wait3A_88 = arith.constant 0 : i32
      %dma_wait3A_89 = tpu.memref_slice %arg2[%dma_wait3A_87, %dma_wait3A_88] : memref<10000x64xi32, #tpu.memory_space<hbm>> -> memref<200x64xi32, #tpu.memory_space<hbm>>
      %dma_wait3A_90 = arith.constant 0 : i32
      %dma_wait3A_91 = arith.constant 0 : i32
      %dma_wait3A_92 = tpu.memref_slice %arg2[%dma_wait3A_90, %dma_wait3A_91] : memref<10000x64xi32, #tpu.memory_space<hbm>> -> memref<200x64xi32, #tpu.memory_space<hbm>>
      tpu.wait_dma2 semaphore(%arg17 : memref<!tpu.dma_semaphore, #tpu.memory_space<semaphore_mem>>) src(%dma_wait3A_92 : memref<200x64xi32, #tpu.memory_space<hbm>>) dst(%arg12 : memref<200x64xi32, #tpu.memory_space<vmem>>)
      %scan3A_93 = arith.constant 0 : i32
      %scan3A_94 = arith.constant 25 : i32
      %scan3A_95 = arith.addi %scan3A_93, %scan3A_94 : i32
      %scan3A_96 = arith.constant 1 : i32
      %scan3A_97 = scf.for %scan3A_106 = %scan3A_93 to %scan3A_95 step %scan3A_96 iter_args(%scan3A_107 = %scan3A_75) -> (vector<16xf32>)  : i32 {
        %mul3A_108 = arith.constant 8 : i32
        %mul3A_109 = arith.muli %scan3A_106, %mul3A_108 : i32
        %add3A_110 = arith.constant 0 : i32
        %add3A_111 = arith.addi %mul3A_109, %add3A_110 : i32
        %get3A_112 = arith.index_cast %add3A_111 : i32 to index
        %get3A_113 = arith.constant 0 : index
        %get3A_114 = tpu.vector_load %arg10[%get3A_112, %get3A_113] {strides = array<i32>} : memref<200x64xi32, #tpu.memory_space<vmem>>, vector<16xi32>,
        %bitcast3A = vector.bitcast %get3A_114 : vector<16xi32> to vector<32xbf16>
        %get3A_115 = arith.index_cast %add3A_111 : i32 to index
        %get3A_116 = arith.constant 0 : index
        %get3A_117 = tpu.vector_load %arg12[%get3A_115, %get3A_116] {strides = array<i32>} : memref<200x64xi32, #tpu.memory_space<vmem>>, vector<16xi32>,
        %bitcast3A_118 = vector.bitcast %get3A_117 : vector<16xi32> to vector<32xbf16>
        %mul3A_119 = arith.mulf %bitcast3A, %bitcast3A_118 : vector<32xbf16>
        %get3A_120 = arith.index_cast %add3A_111 : i32 to index
        %get3A_121 = arith.constant 16 : index
        %get3A_122 = tpu.vector_load %arg10[%get3A_120, %get3A_121] {strides = array<i32>} : memref<200x64xi32, #tpu.memory_space<vmem>>, vector<16xi32>,
        %bitcast3A_123 = vector.bitcast %get3A_122 : vector<16xi32> to vector<32xbf16>
        %get3A_124 = arith.index_cast %add3A_111 : i32 to index
        %get3A_125 = arith.constant 16 : index
        %get3A_126 = tpu.vector_load %arg12[%get3A_124, %get3A_125] {strides = array<i32>} : memref<200x64xi32, #tpu.memory_space<vmem>>, vector<16xi32>,
        %bitcast3A_127 = vector.bitcast %get3A_126 : vector<16xi32> to vector<32xbf16>
        %mul3A_128 = arith.mulf %bitcast3A_123, %bitcast3A_127 : vector<32xbf16>
        %get3A_129 = arith.index_cast %add3A_111 : i32 to index
        %get3A_130 = arith.constant 32 : index
        %get3A_131 = tpu.vector_load %arg10[%get3A_129, %get3A_130] {strides = array<i32>} : memref<200x64xi32, #tpu.memory_space<vmem>>, vector<16xi32>,
        %bitcast3A_132 = vector.bitcast %get3A_131 : vector<16xi32> to vector<32xbf16>
        %get3A_133 = arith.index_cast %add3A_111 : i32 to index
        %get3A_134 = arith.constant 32 : index
        %get3A_135 = tpu.vector_load %arg12[%get3A_133, %get3A_134] {strides = array<i32>} : memref<200x64xi32, #tpu.memory_space<vmem>>, vector<16xi32>,
        %bitcast3A_136 = vector.bitcast %get3A_135 : vector<16xi32> to vector<32xbf16>
        %mul3A_137 = arith.mulf %bitcast3A_132, %bitcast3A_136 : vector<32xbf16>
        %get3A_138 = arith.index_cast %add3A_111 : i32 to index
        %get3A_139 = arith.constant 48 : index
        %get3A_140 = tpu.vector_load %arg10[%get3A_138, %get3A_139] {strides = array<i32>} : memref<200x64xi32, #tpu.memory_space<vmem>>, vector<16xi32>,
        %bitcast3A_141 = vector.bitcast %get3A_140 : vector<16xi32> to vector<32xbf16>
        %get3A_142 = arith.index_cast %add3A_111 : i32 to index
        %get3A_143 = arith.constant 48 : index
        %get3A_144 = tpu.vector_load %arg12[%get3A_142, %get3A_143] {strides = array<i32>} : memref<200x64xi32, #tpu.memory_space<vmem>>, vector<16xi32>,
        %bitcast3A_145 = vector.bitcast %get3A_144 : vector<16xi32> to vector<32xbf16>
        %mul3A_146 = arith.mulf %bitcast3A_141, %bitcast3A_145 : vector<32xbf16>
        %add3A_147 = arith.addf %mul3A_119, %mul3A_128 : vector<32xbf16>
        %add3A_148 = arith.addf %mul3A_137, %mul3A_146 : vector<32xbf16>
        %add3A_149 = arith.addf %add3A_147, %add3A_148 : vector<32xbf16>
        %unpack3A = tpu.unpack_subelements %add3A_149, 0 {pack_format = #tpu.pack_format<interleaved>} : vector<32xbf16> -> vector<16xf32>
        %unpack3A_150 = tpu.unpack_subelements %add3A_149, 1 {pack_format = #tpu.pack_format<interleaved>} : vector<32xbf16> -> vector<16xf32>
        %add3A_151 = arith.addf %unpack3A, %unpack3A_150 : vector<16xf32>
        %broadcast_in_dim3A_152 = vector.shape_cast %and3A_8 : vector<16xi32> to vector<16x1xi32>
        %gather3A = vector.shape_cast %broadcast_in_dim3A_152 : vector<16x1xi32> to vector<16xi32>
        %gather3A_153 = tpu.dynamic_gather %add3A_151[%gather3A] in [0] : vector<16xf32>, vector<16xi32> -> vector<16xf32>
        %add3A_154 = arith.addf %add3A_151, %gather3A_153 : vector<16xf32>
        %broadcast_in_dim3A_155 = vector.shape_cast %and3A_14 : vector<16xi32> to vector<16x1xi32>
        %gather3A_156 = vector.shape_cast %broadcast_in_dim3A_155 : vector<16x1xi32> to vector<16xi32>
        %gather3A_157 = tpu.dynamic_gather %add3A_154[%gather3A_156] in [0] : vector<16xf32>, vector<16xi32> -> vector<16xf32>
        %add3A_158 = arith.addf %add3A_154, %gather3A_157 : vector<16xf32>
        %broadcast_in_dim3A_159 = vector.shape_cast %and3A_20 : vector<16xi32> to vector<16x1xi32>
        %gather3A_160 = vector.shape_cast %broadcast_in_dim3A_159 : vector<16x1xi32> to vector<16xi32>
        %gather3A_161 = tpu.dynamic_gather %add3A_158[%gather3A_160] in [0] : vector<16xf32>, vector<16xi32> -> vector<16xf32>
        %add3A_162 = arith.addf %add3A_158, %gather3A_161 : vector<16xf32>
        %broadcast_in_dim3A_163 = vector.shape_cast %and3A_26 : vector<16xi32> to vector<16x1xi32>
        %gather3A_164 = vector.shape_cast %broadcast_in_dim3A_163 : vector<16x1xi32> to vector<16xi32>
        %gather3A_165 = tpu.dynamic_gather %add3A_162[%gather3A_164] in [0] : vector<16xf32>, vector<16xi32> -> vector<16xf32>
        %add3A_166 = arith.addf %add3A_162, %gather3A_165 : vector<16xf32>
        %sub3A = arith.subf %get3A_3, %add3A_166 : vector<16xf32>
        %max3A = arith.constant 0.000000e+00 : f32
        %max3A_167 = vector.broadcast %max3A : f32 to vector<16xf32>
        %max3A_168 = arith.maximumf %sub3A, %max3A_167 : vector<16xf32>
        %add3A_169 = arith.addf %scan3A_107, %max3A_168 : vector<16xf32>
        %add3A_170 = arith.constant 1 : i32
        %add3A_171 = arith.addi %mul3A_109, %add3A_170 : i32
        %get3A_172 = arith.index_cast %add3A_171 : i32 to index
        %get3A_173 = arith.constant 0 : index
        %get3A_174 = tpu.vector_load %arg10[%get3A_172, %get3A_173] {strides = array<i32>} : memref<200x64xi32, #tpu.memory_space<vmem>>, vector<16xi32>,
        %bitcast3A_175 = vector.bitcast %get3A_174 : vector<16xi32> to vector<32xbf16>
        %get3A_176 = arith.index_cast %add3A_171 : i32 to index
        %get3A_177 = arith.constant 0 : index
        %get3A_178 = tpu.vector_load %arg12[%get3A_176, %get3A_177] {strides = array<i32>} : memref<200x64xi32, #tpu.memory_space<vmem>>, vector<16xi32>,
        %bitcast3A_179 = vector.bitcast %get3A_178 : vector<16xi32> to vector<32xbf16>
        %mul3A_180 = arith.mulf %bitcast3A_175, %bitcast3A_179 : vector<32xbf16>
        %get3A_181 = arith.index_cast %add3A_171 : i32 to index
        %get3A_182 = arith.constant 16 : index
        %get3A_183 = tpu.vector_load %arg10[%get3A_181, %get3A_182] {strides = array<i32>} : memref<200x64xi32, #tpu.memory_space<vmem>>, vector<16xi32>,
        %bitcast3A_184 = vector.bitcast %get3A_183 : vector<16xi32> to vector<32xbf16>
        %get3A_185 = arith.index_cast %add3A_171 : i32 to index
        %get3A_186 = arith.constant 16 : index
        %get3A_187 = tpu.vector_load %arg12[%get3A_185, %get3A_186] {strides = array<i32>} : memref<200x64xi32, #tpu.memory_space<vmem>>, vector<16xi32>,
        %bitcast3A_188 = vector.bitcast %get3A_187 : vector<16xi32> to vector<32xbf16>
        %mul3A_189 = arith.mulf %bitcast3A_184, %bitcast3A_188 : vector<32xbf16>
        %get3A_190 = arith.index_cast %add3A_171 : i32 to index
        %get3A_191 = arith.constant 32 : index
        %get3A_192 = tpu.vector_load %arg10[%get3A_190, %get3A_191] {strides = array<i32>} : memref<200x64xi32, #tpu.memory_space<vmem>>, vector<16xi32>,
        %bitcast3A_193 = vector.bitcast %get3A_192 : vector<16xi32> to vector<32xbf16>
        %get3A_194 = arith.index_cast %add3A_171 : i32 to index
        %get3A_195 = arith.constant 32 : index
        %get3A_196 = tpu.vector_load %arg12[%get3A_194, %get3A_195] {strides = array<i32>} : memref<200x64xi32, #tpu.memory_space<vmem>>, vector<16xi32>,
        %bitcast3A_197 = vector.bitcast %get3A_196 : vector<16xi32> to vector<32xbf16>
        %mul3A_198 = arith.mulf %bitcast3A_193, %bitcast3A_197 : vector<32xbf16>
        %get3A_199 = arith.index_cast %add3A_171 : i32 to index
        %get3A_200 = arith.constant 48 : index
        %get3A_201 = tpu.vector_load %arg10[%get3A_199, %get3A_200] {strides = array<i32>} : memref<200x64xi32, #tpu.memory_space<vmem>>, vector<16xi32>,
        %bitcast3A_202 = vector.bitcast %get3A_201 : vector<16xi32> to vector<32xbf16>
        %get3A_203 = arith.index_cast %add3A_171 : i32 to index
        %get3A_204 = arith.constant 48 : index
        %get3A_205 = tpu.vector_load %arg12[%get3A_203, %get3A_204] {strides = array<i32>} : memref<200x64xi32, #tpu.memory_space<vmem>>, vector<16xi32>,
        %bitcast3A_206 = vector.bitcast %get3A_205 : vector<16xi32> to vector<32xbf16>
        %mul3A_207 = arith.mulf %bitcast3A_202, %bitcast3A_206 : vector<32xbf16>
        %add3A_208 = arith.addf %mul3A_180, %mul3A_189 : vector<32xbf16>
        %add3A_209 = arith.addf %mul3A_198, %mul3A_207 : vector<32xbf16>
        %add3A_210 = arith.addf %add3A_208, %add3A_209 : vector<32xbf16>
        %unpack3A_211 = tpu.unpack_subelements %add3A_210, 0 {pack_format = #tpu.pack_format<interleaved>} : vector<32xbf16> -> vector<16xf32>
        %unpack3A_212 = tpu.unpack_subelements %add3A_210, 1 {pack_format = #tpu.pack_format<interleaved>} : vector<32xbf16> -> vector<16xf32>
        %add3A_213 = arith.addf %unpack3A_211, %unpack3A_212 : vector<16xf32>
        %broadcast_in_dim3A_214 = vector.shape_cast %and3A_8 : vector<16xi32> to vector<16x1xi32>
        %gather3A_215 = vector.shape_cast %broadcast_in_dim3A_214 : vector<16x1xi32> to vector<16xi32>
        %gather3A_216 = tpu.dynamic_gather %add3A_213[%gather3A_215] in [0] : vector<16xf32>, vector<16xi32> -> vector<16xf32>
        %add3A_217 = arith.addf %add3A_213, %gather3A_216 : vector<16xf32>
        %broadcast_in_dim3A_218 = vector.shape_cast %and3A_14 : vector<16xi32> to vector<16x1xi32>
        %gather3A_219 = vector.shape_cast %broadcast_in_dim3A_218 : vector<16x1xi32> to vector<16xi32>
        %gather3A_220 = tpu.dynamic_gather %add3A_217[%gather3A_219] in [0] : vector<16xf32>, vector<16xi32> -> vector<16xf32>
        %add3A_221 = arith.addf %add3A_217, %gather3A_220 : vector<16xf32>
        %broadcast_in_dim3A_222 = vector.shape_cast %and3A_20 : vector<16xi32> to vector<16x1xi32>
        %gather3A_223 = vector.shape_cast %broadcast_in_dim3A_222 : vector<16x1xi32> to vector<16xi32>
        %gather3A_224 = tpu.dynamic_gather %add3A_221[%gather3A_223] in [0] : vector<16xf32>, vector<16xi32> -> vector<16xf32>
        %add3A_225 = arith.addf %add3A_221, %gather3A_224 : vector<16xf32>
        %broadcast_in_dim3A_226 = vector.shape_cast %and3A_26 : vector<16xi32> to vector<16x1xi32>
        %gather3A_227 = vector.shape_cast %broadcast_in_dim3A_226 : vector<16x1xi32> to vector<16xi32>
        %gather3A_228 = tpu.dynamic_gather %add3A_225[%gather3A_227] in [0] : vector<16xf32>, vector<16xi32> -> vector<16xf32>
        %add3A_229 = arith.addf %add3A_225, %gather3A_228 : vector<16xf32>
        %sub3A_230 = arith.subf %get3A_3, %add3A_229 : vector<16xf32>
        %max3A_231 = arith.constant 0.000000e+00 : f32
        %max3A_232 = vector.broadcast %max3A_231 : f32 to vector<16xf32>
        %max3A_233 = arith.maximumf %sub3A_230, %max3A_232 : vector<16xf32>
        %add3A_234 = arith.addf %add3A_169, %max3A_233 : vector<16xf32>
        %add3A_235 = arith.constant 2 : i32
        %add3A_236 = arith.addi %mul3A_109, %add3A_235 : i32
        %get3A_237 = arith.index_cast %add3A_236 : i32 to index
        %get3A_238 = arith.constant 0 : index
        %get3A_239 = tpu.vector_load %arg10[%get3A_237, %get3A_238] {strides = array<i32>} : memref<200x64xi32, #tpu.memory_space<vmem>>, vector<16xi32>,
        %bitcast3A_240 = vector.bitcast %get3A_239 : vector<16xi32> to vector<32xbf16>
        %get3A_241 = arith.index_cast %add3A_236 : i32 to index
        %get3A_242 = arith.constant 0 : index
        %get3A_243 = tpu.vector_load %arg12[%get3A_241, %get3A_242] {strides = array<i32>} : memref<200x64xi32, #tpu.memory_space<vmem>>, vector<16xi32>,
        %bitcast3A_244 = vector.bitcast %get3A_243 : vector<16xi32> to vector<32xbf16>
        %mul3A_245 = arith.mulf %bitcast3A_240, %bitcast3A_244 : vector<32xbf16>
        %get3A_246 = arith.index_cast %add3A_236 : i32 to index
        %get3A_247 = arith.constant 16 : index
        %get3A_248 = tpu.vector_load %arg10[%get3A_246, %get3A_247] {strides = array<i32>} : memref<200x64xi32, #tpu.memory_space<vmem>>, vector<16xi32>,
        %bitcast3A_249 = vector.bitcast %get3A_248 : vector<16xi32> to vector<32xbf16>
        %get3A_250 = arith.index_cast %add3A_236 : i32 to index
        %get3A_251 = arith.constant 16 : index
        %get3A_252 = tpu.vector_load %arg12[%get3A_250, %get3A_251] {strides = array<i32>} : memref<200x64xi32, #tpu.memory_space<vmem>>, vector<16xi32>,
        %bitcast3A_253 = vector.bitcast %get3A_252 : vector<16xi32> to vector<32xbf16>
        %mul3A_254 = arith.mulf %bitcast3A_249, %bitcast3A_253 : vector<32xbf16>
        %get3A_255 = arith.index_cast %add3A_236 : i32 to index
        %get3A_256 = arith.constant 32 : index
        %get3A_257 = tpu.vector_load %arg10[%get3A_255, %get3A_256] {strides = array<i32>} : memref<200x64xi32, #tpu.memory_space<vmem>>, vector<16xi32>,
        %bitcast3A_258 = vector.bitcast %get3A_257 : vector<16xi32> to vector<32xbf16>
        %get3A_259 = arith.index_cast %add3A_236 : i32 to index
        %get3A_260 = arith.constant 32 : index
        %get3A_261 = tpu.vector_load %arg12[%get3A_259, %get3A_260] {strides = array<i32>} : memref<200x64xi32, #tpu.memory_space<vmem>>, vector<16xi32>,
        %bitcast3A_262 = vector.bitcast %get3A_261 : vector<16xi32> to vector<32xbf16>
        %mul3A_263 = arith.mulf %bitcast3A_258, %bitcast3A_262 : vector<32xbf16>
        %get3A_264 = arith.index_cast %add3A_236 : i32 to index
        %get3A_265 = arith.constant 48 : index
        %get3A_266 = tpu.vector_load %arg10[%get3A_264, %get3A_265] {strides = array<i32>} : memref<200x64xi32, #tpu.memory_space<vmem>>, vector<16xi32>,
        %bitcast3A_267 = vector.bitcast %get3A_266 : vector<16xi32> to vector<32xbf16>
        %get3A_268 = arith.index_cast %add3A_236 : i32 to index
        %get3A_269 = arith.constant 48 : index
        %get3A_270 = tpu.vector_load %arg12[%get3A_268, %get3A_269] {strides = array<i32>} : memref<200x64xi32, #tpu.memory_space<vmem>>, vector<16xi32>,
        %bitcast3A_271 = vector.bitcast %get3A_270 : vector<16xi32> to vector<32xbf16>
        %mul3A_272 = arith.mulf %bitcast3A_267, %bitcast3A_271 : vector<32xbf16>
        %add3A_273 = arith.addf %mul3A_245, %mul3A_254 : vector<32xbf16>
        %add3A_274 = arith.addf %mul3A_263, %mul3A_272 : vector<32xbf16>
        %add3A_275 = arith.addf %add3A_273, %add3A_274 : vector<32xbf16>
        %unpack3A_276 = tpu.unpack_subelements %add3A_275, 0 {pack_format = #tpu.pack_format<interleaved>} : vector<32xbf16> -> vector<16xf32>
        %unpack3A_277 = tpu.unpack_subelements %add3A_275, 1 {pack_format = #tpu.pack_format<interleaved>} : vector<32xbf16> -> vector<16xf32>
        %add3A_278 = arith.addf %unpack3A_276, %unpack3A_277 : vector<16xf32>
        %broadcast_in_dim3A_279 = vector.shape_cast %and3A_8 : vector<16xi32> to vector<16x1xi32>
        %gather3A_280 = vector.shape_cast %broadcast_in_dim3A_279 : vector<16x1xi32> to vector<16xi32>
        %gather3A_281 = tpu.dynamic_gather %add3A_278[%gather3A_280] in [0] : vector<16xf32>, vector<16xi32> -> vector<16xf32>
        %add3A_282 = arith.addf %add3A_278, %gather3A_281 : vector<16xf32>
        %broadcast_in_dim3A_283 = vector.shape_cast %and3A_14 : vector<16xi32> to vector<16x1xi32>
        %gather3A_284 = vector.shape_cast %broadcast_in_dim3A_283 : vector<16x1xi32> to vector<16xi32>
        %gather3A_285 = tpu.dynamic_gather %add3A_282[%gather3A_284] in [0] : vector<16xf32>, vector<16xi32> -> vector<16xf32>
        %add3A_286 = arith.addf %add3A_282, %gather3A_285 : vector<16xf32>
        %broadcast_in_dim3A_287 = vector.shape_cast %and3A_20 : vector<16xi32> to vector<16x1xi32>
        %gather3A_288 = vector.shape_cast %broadcast_in_dim3A_287 : vector<16x1xi32> to vector<16xi32>
        %gather3A_289 = tpu.dynamic_gather %add3A_286[%gather3A_288] in [0] : vector<16xf32>, vector<16xi32> -> vector<16xf32>
        %add3A_290 = arith.addf %add3A_286, %gather3A_289 : vector<16xf32>
        %broadcast_in_dim3A_291 = vector.shape_cast %and3A_26 : vector<16xi32> to vector<16x1xi32>
        %gather3A_292 = vector.shape_cast %broadcast_in_dim3A_291 : vector<16x1xi32> to vector<16xi32>
        %gather3A_293 = tpu.dynamic_gather %add3A_290[%gather3A_292] in [0] : vector<16xf32>, vector<16xi32> -> vector<16xf32>
        %add3A_294 = arith.addf %add3A_290, %gather3A_293 : vector<16xf32>
        %sub3A_295 = arith.subf %get3A_3, %add3A_294 : vector<16xf32>
        %max3A_296 = arith.constant 0.000000e+00 : f32
        %max3A_297 = vector.broadcast %max3A_296 : f32 to vector<16xf32>
        %max3A_298 = arith.maximumf %sub3A_295, %max3A_297 : vector<16xf32>
        %add3A_299 = arith.addf %add3A_234, %max3A_298 : vector<16xf32>
        %add3A_300 = arith.constant 3 : i32
        %add3A_301 = arith.addi %mul3A_109, %add3A_300 : i32
        %get3A_302 = arith.index_cast %add3A_301 : i32 to index
        %get3A_303 = arith.constant 0 : index
        %get3A_304 = tpu.vector_load %arg10[%get3A_302, %get3A_303] {strides = array<i32>} : memref<200x64xi32, #tpu.memory_space<vmem>>, vector<16xi32>,
        %bitcast3A_305 = vector.bitcast %get3A_304 : vector<16xi32> to vector<32xbf16>
        %get3A_306 = arith.index_cast %add3A_301 : i32 to index
        %get3A_307 = arith.constant 0 : index
        %get3A_308 = tpu.vector_load %arg12[%get3A_306, %get3A_307] {strides = array<i32>} : memref<200x64xi32, #tpu.memory_space<vmem>>, vector<16xi32>,
        %bitcast3A_309 = vector.bitcast %get3A_308 : vector<16xi32> to vector<32xbf16>
        %mul3A_310 = arith.mulf %bitcast3A_305, %bitcast3A_309 : vector<32xbf16>
        %get3A_311 = arith.index_cast %add3A_301 : i32 to index
        %get3A_312 = arith.constant 16 : index
        %get3A_313 = tpu.vector_load %arg10[%get3A_311, %get3A_312] {strides = array<i32>} : memref<200x64xi32, #tpu.memory_space<vmem>>, vector<16xi32>,
        %bitcast3A_314 = vector.bitcast %get3A_313 : vector<16xi32> to vector<32xbf16>
        %get3A_315 = arith.index_cast %add3A_301 : i32 to index
        %get3A_316 = arith.constant 16 : index
        %get3A_317 = tpu.vector_load %arg12[%get3A_315, %get3A_316] {strides = array<i32>} : memref<200x64xi32, #tpu.memory_space<vmem>>, vector<16xi32>,
        %bitcast3A_318 = vector.bitcast %get3A_317 : vector<16xi32> to vector<32xbf16>
        %mul3A_319 = arith.mulf %bitcast3A_314, %bitcast3A_318 : vector<32xbf16>
        %get3A_320 = arith.index_cast %add3A_301 : i32 to index
        %get3A_321 = arith.constant 32 : index
        %get3A_322 = tpu.vector_load %arg10[%get3A_320, %get3A_321] {strides = array<i32>} : memref<200x64xi32, #tpu.memory_space<vmem>>, vector<16xi32>,
        %bitcast3A_323 = vector.bitcast %get3A_322 : vector<16xi32> to vector<32xbf16>
        %get3A_324 = arith.index_cast %add3A_301 : i32 to index
        %get3A_325 = arith.constant 32 : index
        %get3A_326 = tpu.vector_load %arg12[%get3A_324, %get3A_325] {strides = array<i32>} : memref<200x64xi32, #tpu.memory_space<vmem>>, vector<16xi32>,
        %bitcast3A_327 = vector.bitcast %get3A_326 : vector<16xi32> to vector<32xbf16>
        %mul3A_328 = arith.mulf %bitcast3A_323, %bitcast3A_327 : vector<32xbf16>
        %get3A_329 = arith.index_cast %add3A_301 : i32 to index
        %get3A_330 = arith.constant 48 : index
        %get3A_331 = tpu.vector_load %arg10[%get3A_329, %get3A_330] {strides = array<i32>} : memref<200x64xi32, #tpu.memory_space<vmem>>, vector<16xi32>,
        %bitcast3A_332 = vector.bitcast %get3A_331 : vector<16xi32> to vector<32xbf16>
        %get3A_333 = arith.index_cast %add3A_301 : i32 to index
        %get3A_334 = arith.constant 48 : index
        %get3A_335 = tpu.vector_load %arg12[%get3A_333, %get3A_334] {strides = array<i32>} : memref<200x64xi32, #tpu.memory_space<vmem>>, vector<16xi32>,
        %bitcast3A_336 = vector.bitcast %get3A_335 : vector<16xi32> to vector<32xbf16>
        %mul3A_337 = arith.mulf %bitcast3A_332, %bitcast3A_336 : vector<32xbf16>
        %add3A_338 = arith.addf %mul3A_310, %mul3A_319 : vector<32xbf16>
        %add3A_339 = arith.addf %mul3A_328, %mul3A_337 : vector<32xbf16>
        %add3A_340 = arith.addf %add3A_338, %add3A_339 : vector<32xbf16>
        %unpack3A_341 = tpu.unpack_subelements %add3A_340, 0 {pack_format = #tpu.pack_format<interleaved>} : vector<32xbf16> -> vector<16xf32>
        %unpack3A_342 = tpu.unpack_subelements %add3A_340, 1 {pack_format = #tpu.pack_format<interleaved>} : vector<32xbf16> -> vector<16xf32>
        %add3A_343 = arith.addf %unpack3A_341, %unpack3A_342 : vector<16xf32>
        %broadcast_in_dim3A_344 = vector.shape_cast %and3A_8 : vector<16xi32> to vector<16x1xi32>
        %gather3A_345 = vector.shape_cast %broadcast_in_dim3A_344 : vector<16x1xi32> to vector<16xi32>
        %gather3A_346 = tpu.dynamic_gather %add3A_343[%gather3A_345] in [0] : vector<16xf32>, vector<16xi32> -> vector<16xf32>
        %add3A_347 = arith.addf %add3A_343, %gather3A_346 : vector<16xf32>
        %broadcast_in_dim3A_348 = vector.shape_cast %and3A_14 : vector<16xi32> to vector<16x1xi32>
        %gather3A_349 = vector.shape_cast %broadcast_in_dim3A_348 : vector<16x1xi32> to vector<16xi32>
        %gather3A_350 = tpu.dynamic_gather %add3A_347[%gather3A_349] in [0] : vector<16xf32>, vector<16xi32> -> vector<16xf32>
        %add3A_351 = arith.addf %add3A_347, %gather3A_350 : vector<16xf32>
        %broadcast_in_dim3A_352 = vector.shape_cast %and3A_20 : vector<16xi32> to vector<16x1xi32>
        %gather3A_353 = vector.shape_cast %broadcast_in_dim3A_352 : vector<16x1xi32> to vector<16xi32>
        %gather3A_354 = tpu.dynamic_gather %add3A_351[%gather3A_353] in [0] : vector<16xf32>, vector<16xi32> -> vector<16xf32>
        %add3A_355 = arith.addf %add3A_351, %gather3A_354 : vector<16xf32>
        %broadcast_in_dim3A_356 = vector.shape_cast %and3A_26 : vector<16xi32> to vector<16x1xi32>
        %gather3A_357 = vector.shape_cast %broadcast_in_dim3A_356 : vector<16x1xi32> to vector<16xi32>
        %gather3A_358 = tpu.dynamic_gather %add3A_355[%gather3A_357] in [0] : vector<16xf32>, vector<16xi32> -> vector<16xf32>
        %add3A_359 = arith.addf %add3A_355, %gather3A_358 : vector<16xf32>
        %sub3A_360 = arith.subf %get3A_3, %add3A_359 : vector<16xf32>
        %max3A_361 = arith.constant 0.000000e+00 : f32
        %max3A_362 = vector.broadcast %max3A_361 : f32 to vector<16xf32>
        %max3A_363 = arith.maximumf %sub3A_360, %max3A_362 : vector<16xf32>
        %add3A_364 = arith.addf %add3A_299, %max3A_363 : vector<16xf32>
        %add3A_365 = arith.constant 4 : i32
        %add3A_366 = arith.addi %mul3A_109, %add3A_365 : i32
        %get3A_367 = arith.index_cast %add3A_366 : i32 to index
        %get3A_368 = arith.constant 0 : index
        %get3A_369 = tpu.vector_load %arg10[%get3A_367, %get3A_368] {strides = array<i32>} : memref<200x64xi32, #tpu.memory_space<vmem>>, vector<16xi32>,
        %bitcast3A_370 = vector.bitcast %get3A_369 : vector<16xi32> to vector<32xbf16>
        %get3A_371 = arith.index_cast %add3A_366 : i32 to index
        %get3A_372 = arith.constant 0 : index
        %get3A_373 = tpu.vector_load %arg12[%get3A_371, %get3A_372] {strides = array<i32>} : memref<200x64xi32, #tpu.memory_space<vmem>>, vector<16xi32>,
        %bitcast3A_374 = vector.bitcast %get3A_373 : vector<16xi32> to vector<32xbf16>
        %mul3A_375 = arith.mulf %bitcast3A_370, %bitcast3A_374 : vector<32xbf16>
        %get3A_376 = arith.index_cast %add3A_366 : i32 to index
        %get3A_377 = arith.constant 16 : index
        %get3A_378 = tpu.vector_load %arg10[%get3A_376, %get3A_377] {strides = array<i32>} : memref<200x64xi32, #tpu.memory_space<vmem>>, vector<16xi32>,
        %bitcast3A_379 = vector.bitcast %get3A_378 : vector<16xi32> to vector<32xbf16>
        %get3A_380 = arith.index_cast %add3A_366 : i32 to index
        %get3A_381 = arith.constant 16 : index
        %get3A_382 = tpu.vector_load %arg12[%get3A_380, %get3A_381] {strides = array<i32>} : memref<200x64xi32, #tpu.memory_space<vmem>>, vector<16xi32>,
        %bitcast3A_383 = vector.bitcast %get3A_382 : vector<16xi32> to vector<32xbf16>
        %mul3A_384 = arith.mulf %bitcast3A_379, %bitcast3A_383 : vector<32xbf16>
        %get3A_385 = arith.index_cast %add3A_366 : i32 to index
        %get3A_386 = arith.constant 32 : index
        %get3A_387 = tpu.vector_load %arg10[%get3A_385, %get3A_386] {strides = array<i32>} : memref<200x64xi32, #tpu.memory_space<vmem>>, vector<16xi32>,
        %bitcast3A_388 = vector.bitcast %get3A_387 : vector<16xi32> to vector<32xbf16>
        %get3A_389 = arith.index_cast %add3A_366 : i32 to index
        %get3A_390 = arith.constant 32 : index
        %get3A_391 = tpu.vector_load %arg12[%get3A_389, %get3A_390] {strides = array<i32>} : memref<200x64xi32, #tpu.memory_space<vmem>>, vector<16xi32>,
        %bitcast3A_392 = vector.bitcast %get3A_391 : vector<16xi32> to vector<32xbf16>
        %mul3A_393 = arith.mulf %bitcast3A_388, %bitcast3A_392 : vector<32xbf16>
        %get3A_394 = arith.index_cast %add3A_366 : i32 to index
        %get3A_395 = arith.constant 48 : index
        %get3A_396 = tpu.vector_load %arg10[%get3A_394, %get3A_395] {strides = array<i32>} : memref<200x64xi32, #tpu.memory_space<vmem>>, vector<16xi32>,
        %bitcast3A_397 = vector.bitcast %get3A_396 : vector<16xi32> to vector<32xbf16>
        %get3A_398 = arith.index_cast %add3A_366 : i32 to index
        %get3A_399 = arith.constant 48 : index
        %get3A_400 = tpu.vector_load %arg12[%get3A_398, %get3A_399] {strides = array<i32>} : memref<200x64xi32, #tpu.memory_space<vmem>>, vector<16xi32>,
        %bitcast3A_401 = vector.bitcast %get3A_400 : vector<16xi32> to vector<32xbf16>
        %mul3A_402 = arith.mulf %bitcast3A_397, %bitcast3A_401 : vector<32xbf16>
        %add3A_403 = arith.addf %mul3A_375, %mul3A_384 : vector<32xbf16>
        %add3A_404 = arith.addf %mul3A_393, %mul3A_402 : vector<32xbf16>
        %add3A_405 = arith.addf %add3A_403, %add3A_404 : vector<32xbf16>
        %unpack3A_406 = tpu.unpack_subelements %add3A_405, 0 {pack_format = #tpu.pack_format<interleaved>} : vector<32xbf16> -> vector<16xf32>
        %unpack3A_407 = tpu.unpack_subelements %add3A_405, 1 {pack_format = #tpu.pack_format<interleaved>} : vector<32xbf16> -> vector<16xf32>
        %add3A_408 = arith.addf %unpack3A_406, %unpack3A_407 : vector<16xf32>
        %broadcast_in_dim3A_409 = vector.shape_cast %and3A_8 : vector<16xi32> to vector<16x1xi32>
        %gather3A_410 = vector.shape_cast %broadcast_in_dim3A_409 : vector<16x1xi32> to vector<16xi32>
        %gather3A_411 = tpu.dynamic_gather %add3A_408[%gather3A_410] in [0] : vector<16xf32>, vector<16xi32> -> vector<16xf32>
        %add3A_412 = arith.addf %add3A_408, %gather3A_411 : vector<16xf32>
        %broadcast_in_dim3A_413 = vector.shape_cast %and3A_14 : vector<16xi32> to vector<16x1xi32>
        %gather3A_414 = vector.shape_cast %broadcast_in_dim3A_413 : vector<16x1xi32> to vector<16xi32>
        %gather3A_415 = tpu.dynamic_gather %add3A_412[%gather3A_414] in [0] : vector<16xf32>, vector<16xi32> -> vector<16xf32>
        %add3A_416 = arith.addf %add3A_412, %gather3A_415 : vector<16xf32>
        %broadcast_in_dim3A_417 = vector.shape_cast %and3A_20 : vector<16xi32> to vector<16x1xi32>
        %gather3A_418 = vector.shape_cast %broadcast_in_dim3A_417 : vector<16x1xi32> to vector<16xi32>
        %gather3A_419 = tpu.dynamic_gather %add3A_416[%gather3A_418] in [0] : vector<16xf32>, vector<16xi32> -> vector<16xf32>
        %add3A_420 = arith.addf %add3A_416, %gather3A_419 : vector<16xf32>
        %broadcast_in_dim3A_421 = vector.shape_cast %and3A_26 : vector<16xi32> to vector<16x1xi32>
        %gather3A_422 = vector.shape_cast %broadcast_in_dim3A_421 : vector<16x1xi32> to vector<16xi32>
        %gather3A_423 = tpu.dynamic_gather %add3A_420[%gather3A_422] in [0] : vector<16xf32>, vector<16xi32> -> vector<16xf32>
        %add3A_424 = arith.addf %add3A_420, %gather3A_423 : vector<16xf32>
        %sub3A_425 = arith.subf %get3A_3, %add3A_424 : vector<16xf32>
        %max3A_426 = arith.constant 0.000000e+00 : f32
        %max3A_427 = vector.broadcast %max3A_426 : f32 to vector<16xf32>
        %max3A_428 = arith.maximumf %sub3A_425, %max3A_427 : vector<16xf32>
        %add3A_429 = arith.addf %add3A_364, %max3A_428 : vector<16xf32>
        %add3A_430 = arith.constant 5 : i32
        %add3A_431 = arith.addi %mul3A_109, %add3A_430 : i32
        %get3A_432 = arith.index_cast %add3A_431 : i32 to index
        %get3A_433 = arith.constant 0 : index
        %get3A_434 = tpu.vector_load %arg10[%get3A_432, %get3A_433] {strides = array<i32>} : memref<200x64xi32, #tpu.memory_space<vmem>>, vector<16xi32>,
        %bitcast3A_435 = vector.bitcast %get3A_434 : vector<16xi32> to vector<32xbf16>
        %get3A_436 = arith.index_cast %add3A_431 : i32 to index
        %get3A_437 = arith.constant 0 : index
        %get3A_438 = tpu.vector_load %arg12[%get3A_436, %get3A_437] {strides = array<i32>} : memref<200x64xi32, #tpu.memory_space<vmem>>, vector<16xi32>,
        %bitcast3A_439 = vector.bitcast %get3A_438 : vector<16xi32> to vector<32xbf16>
        %mul3A_440 = arith.mulf %bitcast3A_435, %bitcast3A_439 : vector<32xbf16>
        %get3A_441 = arith.index_cast %add3A_431 : i32 to index
        %get3A_442 = arith.constant 16 : index
        %get3A_443 = tpu.vector_load %arg10[%get3A_441, %get3A_442] {strides = array<i32>} : memref<200x64xi32, #tpu.memory_space<vmem>>, vector<16xi32>,
        %bitcast3A_444 = vector.bitcast %get3A_443 : vector<16xi32> to vector<32xbf16>
        %get3A_445 = arith.index_cast %add3A_431 : i32 to index
        %get3A_446 = arith.constant 16 : index
        %get3A_447 = tpu.vector_load %arg12[%get3A_445, %get3A_446] {strides = array<i32>} : memref<200x64xi32, #tpu.memory_space<vmem>>, vector<16xi32>,
        %bitcast3A_448 = vector.bitcast %get3A_447 : vector<16xi32> to vector<32xbf16>
        %mul3A_449 = arith.mulf %bitcast3A_444, %bitcast3A_448 : vector<32xbf16>
        %get3A_450 = arith.index_cast %add3A_431 : i32 to index
        %get3A_451 = arith.constant 32 : index
        %get3A_452 = tpu.vector_load %arg10[%get3A_450, %get3A_451] {strides = array<i32>} : memref<200x64xi32, #tpu.memory_space<vmem>>, vector<16xi32>,
        %bitcast3A_453 = vector.bitcast %get3A_452 : vector<16xi32> to vector<32xbf16>
        %get3A_454 = arith.index_cast %add3A_431 : i32 to index
        %get3A_455 = arith.constant 32 : index
        %get3A_456 = tpu.vector_load %arg12[%get3A_454, %get3A_455] {strides = array<i32>} : memref<200x64xi32, #tpu.memory_space<vmem>>, vector<16xi32>,
        %bitcast3A_457 = vector.bitcast %get3A_456 : vector<16xi32> to vector<32xbf16>
        %mul3A_458 = arith.mulf %bitcast3A_453, %bitcast3A_457 : vector<32xbf16>
        %get3A_459 = arith.index_cast %add3A_431 : i32 to index
        %get3A_460 = arith.constant 48 : index
        %get3A_461 = tpu.vector_load %arg10[%get3A_459, %get3A_460] {strides = array<i32>} : memref<200x64xi32, #tpu.memory_space<vmem>>, vector<16xi32>,
        %bitcast3A_462 = vector.bitcast %get3A_461 : vector<16xi32> to vector<32xbf16>
        %get3A_463 = arith.index_cast %add3A_431 : i32 to index
        %get3A_464 = arith.constant 48 : index
        %get3A_465 = tpu.vector_load %arg12[%get3A_463, %get3A_464] {strides = array<i32>} : memref<200x64xi32, #tpu.memory_space<vmem>>, vector<16xi32>,
        %bitcast3A_466 = vector.bitcast %get3A_465 : vector<16xi32> to vector<32xbf16>
        %mul3A_467 = arith.mulf %bitcast3A_462, %bitcast3A_466 : vector<32xbf16>
        %add3A_468 = arith.addf %mul3A_440, %mul3A_449 : vector<32xbf16>
        %add3A_469 = arith.addf %mul3A_458, %mul3A_467 : vector<32xbf16>
        %add3A_470 = arith.addf %add3A_468, %add3A_469 : vector<32xbf16>
        %unpack3A_471 = tpu.unpack_subelements %add3A_470, 0 {pack_format = #tpu.pack_format<interleaved>} : vector<32xbf16> -> vector<16xf32>
        %unpack3A_472 = tpu.unpack_subelements %add3A_470, 1 {pack_format = #tpu.pack_format<interleaved>} : vector<32xbf16> -> vector<16xf32>
        %add3A_473 = arith.addf %unpack3A_471, %unpack3A_472 : vector<16xf32>
        %broadcast_in_dim3A_474 = vector.shape_cast %and3A_8 : vector<16xi32> to vector<16x1xi32>
        %gather3A_475 = vector.shape_cast %broadcast_in_dim3A_474 : vector<16x1xi32> to vector<16xi32>
        %gather3A_476 = tpu.dynamic_gather %add3A_473[%gather3A_475] in [0] : vector<16xf32>, vector<16xi32> -> vector<16xf32>
        %add3A_477 = arith.addf %add3A_473, %gather3A_476 : vector<16xf32>
        %broadcast_in_dim3A_478 = vector.shape_cast %and3A_14 : vector<16xi32> to vector<16x1xi32>
        %gather3A_479 = vector.shape_cast %broadcast_in_dim3A_478 : vector<16x1xi32> to vector<16xi32>
        %gather3A_480 = tpu.dynamic_gather %add3A_477[%gather3A_479] in [0] : vector<16xf32>, vector<16xi32> -> vector<16xf32>
        %add3A_481 = arith.addf %add3A_477, %gather3A_480 : vector<16xf32>
        %broadcast_in_dim3A_482 = vector.shape_cast %and3A_20 : vector<16xi32> to vector<16x1xi32>
        %gather3A_483 = vector.shape_cast %broadcast_in_dim3A_482 : vector<16x1xi32> to vector<16xi32>
        %gather3A_484 = tpu.dynamic_gather %add3A_481[%gather3A_483] in [0] : vector<16xf32>, vector<16xi32> -> vector<16xf32>
        %add3A_485 = arith.addf %add3A_481, %gather3A_484 : vector<16xf32>
        %broadcast_in_dim3A_486 = vector.shape_cast %and3A_26 : vector<16xi32> to vector<16x1xi32>
        %gather3A_487 = vector.shape_cast %broadcast_in_dim3A_486 : vector<16x1xi32> to vector<16xi32>
        %gather3A_488 = tpu.dynamic_gather %add3A_485[%gather3A_487] in [0] : vector<16xf32>, vector<16xi32> -> vector<16xf32>
        %add3A_489 = arith.addf %add3A_485, %gather3A_488 : vector<16xf32>
        %sub3A_490 = arith.subf %get3A_3, %add3A_489 : vector<16xf32>
        %max3A_491 = arith.constant 0.000000e+00 : f32
        %max3A_492 = vector.broadcast %max3A_491 : f32 to vector<16xf32>
        %max3A_493 = arith.maximumf %sub3A_490, %max3A_492 : vector<16xf32>
        %add3A_494 = arith.addf %add3A_429, %max3A_493 : vector<16xf32>
        %add3A_495 = arith.constant 6 : i32
        %add3A_496 = arith.addi %mul3A_109, %add3A_495 : i32
        %get3A_497 = arith.index_cast %add3A_496 : i32 to index
        %get3A_498 = arith.constant 0 : index
        %get3A_499 = tpu.vector_load %arg10[%get3A_497, %get3A_498] {strides = array<i32>} : memref<200x64xi32, #tpu.memory_space<vmem>>, vector<16xi32>,
        %bitcast3A_500 = vector.bitcast %get3A_499 : vector<16xi32> to vector<32xbf16>
        %get3A_501 = arith.index_cast %add3A_496 : i32 to index
        %get3A_502 = arith.constant 0 : index
        %get3A_503 = tpu.vector_load %arg12[%get3A_501, %get3A_502] {strides = array<i32>} : memref<200x64xi32, #tpu.memory_space<vmem>>, vector<16xi32>,
        %bitcast3A_504 = vector.bitcast %get3A_503 : vector<16xi32> to vector<32xbf16>
        %mul3A_505 = arith.mulf %bitcast3A_500, %bitcast3A_504 : vector<32xbf16>
        %get3A_506 = arith.index_cast %add3A_496 : i32 to index
        %get3A_507 = arith.constant 16 : index
        %get3A_508 = tpu.vector_load %arg10[%get3A_506, %get3A_507] {strides = array<i32>} : memref<200x64xi32, #tpu.memory_space<vmem>>, vector<16xi32>,
        %bitcast3A_509 = vector.bitcast %get3A_508 : vector<16xi32> to vector<32xbf16>
        %get3A_510 = arith.index_cast %add3A_496 : i32 to index
        %get3A_511 = arith.constant 16 : index
        %get3A_512 = tpu.vector_load %arg12[%get3A_510, %get3A_511] {strides = array<i32>} : memref<200x64xi32, #tpu.memory_space<vmem>>, vector<16xi32>,
        %bitcast3A_513 = vector.bitcast %get3A_512 : vector<16xi32> to vector<32xbf16>
        %mul3A_514 = arith.mulf %bitcast3A_509, %bitcast3A_513 : vector<32xbf16>
        %get3A_515 = arith.index_cast %add3A_496 : i32 to index
        %get3A_516 = arith.constant 32 : index
        %get3A_517 = tpu.vector_load %arg10[%get3A_515, %get3A_516] {strides = array<i32>} : memref<200x64xi32, #tpu.memory_space<vmem>>, vector<16xi32>,
        %bitcast3A_518 = vector.bitcast %get3A_517 : vector<16xi32> to vector<32xbf16>
        %get3A_519 = arith.index_cast %add3A_496 : i32 to index
        %get3A_520 = arith.constant 32 : index
        %get3A_521 = tpu.vector_load %arg12[%get3A_519, %get3A_520] {strides = array<i32>} : memref<200x64xi32, #tpu.memory_space<vmem>>, vector<16xi32>,
        %bitcast3A_522 = vector.bitcast %get3A_521 : vector<16xi32> to vector<32xbf16>
        %mul3A_523 = arith.mulf %bitcast3A_518, %bitcast3A_522 : vector<32xbf16>
        %get3A_524 = arith.index_cast %add3A_496 : i32 to index
        %get3A_525 = arith.constant 48 : index
        %get3A_526 = tpu.vector_load %arg10[%get3A_524, %get3A_525] {strides = array<i32>} : memref<200x64xi32, #tpu.memory_space<vmem>>, vector<16xi32>,
        %bitcast3A_527 = vector.bitcast %get3A_526 : vector<16xi32> to vector<32xbf16>
        %get3A_528 = arith.index_cast %add3A_496 : i32 to index
        %get3A_529 = arith.constant 48 : index
        %get3A_530 = tpu.vector_load %arg12[%get3A_528, %get3A_529] {strides = array<i32>} : memref<200x64xi32, #tpu.memory_space<vmem>>, vector<16xi32>,
        %bitcast3A_531 = vector.bitcast %get3A_530 : vector<16xi32> to vector<32xbf16>
        %mul3A_532 = arith.mulf %bitcast3A_527, %bitcast3A_531 : vector<32xbf16>
        %add3A_533 = arith.addf %mul3A_505, %mul3A_514 : vector<32xbf16>
        %add3A_534 = arith.addf %mul3A_523, %mul3A_532 : vector<32xbf16>
        %add3A_535 = arith.addf %add3A_533, %add3A_534 : vector<32xbf16>
        %unpack3A_536 = tpu.unpack_subelements %add3A_535, 0 {pack_format = #tpu.pack_format<interleaved>} : vector<32xbf16> -> vector<16xf32>
        %unpack3A_537 = tpu.unpack_subelements %add3A_535, 1 {pack_format = #tpu.pack_format<interleaved>} : vector<32xbf16> -> vector<16xf32>
        %add3A_538 = arith.addf %unpack3A_536, %unpack3A_537 : vector<16xf32>
        %broadcast_in_dim3A_539 = vector.shape_cast %and3A_8 : vector<16xi32> to vector<16x1xi32>
        %gather3A_540 = vector.shape_cast %broadcast_in_dim3A_539 : vector<16x1xi32> to vector<16xi32>
        %gather3A_541 = tpu.dynamic_gather %add3A_538[%gather3A_540] in [0] : vector<16xf32>, vector<16xi32> -> vector<16xf32>
        %add3A_542 = arith.addf %add3A_538, %gather3A_541 : vector<16xf32>
        %broadcast_in_dim3A_543 = vector.shape_cast %and3A_14 : vector<16xi32> to vector<16x1xi32>
        %gather3A_544 = vector.shape_cast %broadcast_in_dim3A_543 : vector<16x1xi32> to vector<16xi32>
        %gather3A_545 = tpu.dynamic_gather %add3A_542[%gather3A_544] in [0] : vector<16xf32>, vector<16xi32> -> vector<16xf32>
        %add3A_546 = arith.addf %add3A_542, %gather3A_545 : vector<16xf32>
        %broadcast_in_dim3A_547 = vector.shape_cast %and3A_20 : vector<16xi32> to vector<16x1xi32>
        %gather3A_548 = vector.shape_cast %broadcast_in_dim3A_547 : vector<16x1xi32> to vector<16xi32>
        %gather3A_549 = tpu.dynamic_gather %add3A_546[%gather3A_548] in [0] : vector<16xf32>, vector<16xi32> -> vector<16xf32>
        %add3A_550 = arith.addf %add3A_546, %gather3A_549 : vector<16xf32>
        %broadcast_in_dim3A_551 = vector.shape_cast %and3A_26 : vector<16xi32> to vector<16x1xi32>
        %gather3A_552 = vector.shape_cast %broadcast_in_dim3A_551 : vector<16x1xi32> to vector<16xi32>
        %gather3A_553 = tpu.dynamic_gather %add3A_550[%gather3A_552] in [0] : vector<16xf32>, vector<16xi32> -> vector<16xf32>
        %add3A_554 = arith.addf %add3A_550, %gather3A_553 : vector<16xf32>
        %sub3A_555 = arith.subf %get3A_3, %add3A_554 : vector<16xf32>
        %max3A_556 = arith.constant 0.000000e+00 : f32
        %max3A_557 = vector.broadcast %max3A_556 : f32 to vector<16xf32>
        %max3A_558 = arith.maximumf %sub3A_555, %max3A_557 : vector<16xf32>
        %add3A_559 = arith.addf %add3A_494, %max3A_558 : vector<16xf32>
        %add3A_560 = arith.constant 7 : i32
        %add3A_561 = arith.addi %mul3A_109, %add3A_560 : i32
        %get3A_562 = arith.index_cast %add3A_561 : i32 to index
        %get3A_563 = arith.constant 0 : index
        %get3A_564 = tpu.vector_load %arg10[%get3A_562, %get3A_563] {strides = array<i32>} : memref<200x64xi32, #tpu.memory_space<vmem>>, vector<16xi32>,
        %bitcast3A_565 = vector.bitcast %get3A_564 : vector<16xi32> to vector<32xbf16>
        %get3A_566 = arith.index_cast %add3A_561 : i32 to index
        %get3A_567 = arith.constant 0 : index
        %get3A_568 = tpu.vector_load %arg12[%get3A_566, %get3A_567] {strides = array<i32>} : memref<200x64xi32, #tpu.memory_space<vmem>>, vector<16xi32>,
        %bitcast3A_569 = vector.bitcast %get3A_568 : vector<16xi32> to vector<32xbf16>
        %mul3A_570 = arith.mulf %bitcast3A_565, %bitcast3A_569 : vector<32xbf16>
        %get3A_571 = arith.index_cast %add3A_561 : i32 to index
        %get3A_572 = arith.constant 16 : index
        %get3A_573 = tpu.vector_load %arg10[%get3A_571, %get3A_572] {strides = array<i32>} : memref<200x64xi32, #tpu.memory_space<vmem>>, vector<16xi32>,
        %bitcast3A_574 = vector.bitcast %get3A_573 : vector<16xi32> to vector<32xbf16>
        %get3A_575 = arith.index_cast %add3A_561 : i32 to index
        %get3A_576 = arith.constant 16 : index
        %get3A_577 = tpu.vector_load %arg12[%get3A_575, %get3A_576] {strides = array<i32>} : memref<200x64xi32, #tpu.memory_space<vmem>>, vector<16xi32>,
        %bitcast3A_578 = vector.bitcast %get3A_577 : vector<16xi32> to vector<32xbf16>
        %mul3A_579 = arith.mulf %bitcast3A_574, %bitcast3A_578 : vector<32xbf16>
        %get3A_580 = arith.index_cast %add3A_561 : i32 to index
        %get3A_581 = arith.constant 32 : index
        %get3A_582 = tpu.vector_load %arg10[%get3A_580, %get3A_581] {strides = array<i32>} : memref<200x64xi32, #tpu.memory_space<vmem>>, vector<16xi32>,
        %bitcast3A_583 = vector.bitcast %get3A_582 : vector<16xi32> to vector<32xbf16>
        %get3A_584 = arith.index_cast %add3A_561 : i32 to index
        %get3A_585 = arith.constant 32 : index
        %get3A_586 = tpu.vector_load %arg12[%get3A_584, %get3A_585] {strides = array<i32>} : memref<200x64xi32, #tpu.memory_space<vmem>>, vector<16xi32>,
        %bitcast3A_587 = vector.bitcast %get3A_586 : vector<16xi32> to vector<32xbf16>
        %mul3A_588 = arith.mulf %bitcast3A_583, %bitcast3A_587 : vector<32xbf16>
        %get3A_589 = arith.index_cast %add3A_561 : i32 to index
        %get3A_590 = arith.constant 48 : index
        %get3A_591 = tpu.vector_load %arg10[%get3A_589, %get3A_590] {strides = array<i32>} : memref<200x64xi32, #tpu.memory_space<vmem>>, vector<16xi32>,
        %bitcast3A_592 = vector.bitcast %get3A_591 : vector<16xi32> to vector<32xbf16>
        %get3A_593 = arith.index_cast %add3A_561 : i32 to index
        %get3A_594 = arith.constant 48 : index
        %get3A_595 = tpu.vector_load %arg12[%get3A_593, %get3A_594] {strides = array<i32>} : memref<200x64xi32, #tpu.memory_space<vmem>>, vector<16xi32>,
        %bitcast3A_596 = vector.bitcast %get3A_595 : vector<16xi32> to vector<32xbf16>
        %mul3A_597 = arith.mulf %bitcast3A_592, %bitcast3A_596 : vector<32xbf16>
        %add3A_598 = arith.addf %mul3A_570, %mul3A_579 : vector<32xbf16>
        %add3A_599 = arith.addf %mul3A_588, %mul3A_597 : vector<32xbf16>
        %add3A_600 = arith.addf %add3A_598, %add3A_599 : vector<32xbf16>
        %unpack3A_601 = tpu.unpack_subelements %add3A_600, 0 {pack_format = #tpu.pack_format<interleaved>} : vector<32xbf16> -> vector<16xf32>
        %unpack3A_602 = tpu.unpack_subelements %add3A_600, 1 {pack_format = #tpu.pack_format<interleaved>} : vector<32xbf16> -> vector<16xf32>
        %add3A_603 = arith.addf %unpack3A_601, %unpack3A_602 : vector<16xf32>
        %broadcast_in_dim3A_604 = vector.shape_cast %and3A_8 : vector<16xi32> to vector<16x1xi32>
        %gather3A_605 = vector.shape_cast %broadcast_in_dim3A_604 : vector<16x1xi32> to vector<16xi32>
        %gather3A_606 = tpu.dynamic_gather %add3A_603[%gather3A_605] in [0] : vector<16xf32>, vector<16xi32> -> vector<16xf32>
        %add3A_607 = arith.addf %add3A_603, %gather3A_606 : vector<16xf32>
        %broadcast_in_dim3A_608 = vector.shape_cast %and3A_14 : vector<16xi32> to vector<16x1xi32>
        %gather3A_609 = vector.shape_cast %broadcast_in_dim3A_608 : vector<16x1xi32> to vector<16xi32>
        %gather3A_610 = tpu.dynamic_gather %add3A_607[%gather3A_609] in [0] : vector<16xf32>, vector<16xi32> -> vector<16xf32>
        %add3A_611 = arith.addf %add3A_607, %gather3A_610 : vector<16xf32>
        %broadcast_in_dim3A_612 = vector.shape_cast %and3A_20 : vector<16xi32> to vector<16x1xi32>
        %gather3A_613 = vector.shape_cast %broadcast_in_dim3A_612 : vector<16x1xi32> to vector<16xi32>
        %gather3A_614 = tpu.dynamic_gather %add3A_611[%gather3A_613] in [0] : vector<16xf32>, vector<16xi32> -> vector<16xf32>
        %add3A_615 = arith.addf %add3A_611, %gather3A_614 : vector<16xf32>
        %broadcast_in_dim3A_616 = vector.shape_cast %and3A_26 : vector<16xi32> to vector<16x1xi32>
        %gather3A_617 = vector.shape_cast %broadcast_in_dim3A_616 : vector<16x1xi32> to vector<16xi32>
        %gather3A_618 = tpu.dynamic_gather %add3A_615[%gather3A_617] in [0] : vector<16xf32>, vector<16xi32> -> vector<16xf32>
        %add3A_619 = arith.addf %add3A_615, %gather3A_618 : vector<16xf32>
        %sub3A_620 = arith.subf %get3A_3, %add3A_619 : vector<16xf32>
        %max3A_621 = arith.constant 0.000000e+00 : f32
        %max3A_622 = vector.broadcast %max3A_621 : f32 to vector<16xf32>
        %max3A_623 = arith.maximumf %sub3A_620, %max3A_622 : vector<16xf32>
        %add3A_624 = arith.addf %add3A_559, %max3A_623 : vector<16xf32>
        scf.yield %add3A_624 : vector<16xf32>
      }
      %scan3A_98 = arith.constant 25 : i32
      %add3A_99 = arith.constant 3 : i32
      %add3A_100 = arith.addi %mul3A_59, %add3A_99 : i32
      %lt3A_101 = arith.constant 50 : i32
      %lt3A_102 = arith.cmpi slt, %add3A_100, %lt3A_101 : i32
      %convert_element_type3A_103 = arith.extui %lt3A_102 : i1 to i32
      %cond3A_104 = arith.constant 0 : i32
      %cond3A_105 = arith.cmpi ne, %convert_element_type3A_103, %cond3A_104 : i32
      scf.if %cond3A_105 {
        %add3A_106 = arith.constant 3 : i32
        %add3A_107 = arith.addi %mul3A_59, %add3A_106 : i32
        %mul3A_108 = arith.constant 200 : i32
        %mul3A_109 = arith.muli %add3A_107, %mul3A_108 : i32
        %dma_start3A_110 = tpu.memref_slice %arg7[%mul3A_109] : memref<10000xi32, #tpu.memory_space<vmem>> -> memref<200xi32, #tpu.memory_space<vmem>>
        %dma_start3A_111 = arith.constant 0 : i32
        %dma_start3A_112 = arith.constant 0 : i32
        %dma_start3A_113 = tpu.memref_slice %arg2[%dma_start3A_111, %dma_start3A_112] : memref<10000x64xi32, #tpu.memory_space<hbm>> -> memref<10000x64xi32, #tpu.memory_space<hbm>>
        tpu.enqueue_indirect_dma source(%dma_start3A_113 : memref<10000x64xi32, #tpu.memory_space<hbm>>) target(%arg10 : memref<200x64xi32, #tpu.memory_space<vmem>>) offsets(%dma_start3A_110 : memref<200xi32, #tpu.memory_space<vmem>>) semaphore(%arg15 : memref<!tpu.dma_semaphore, #tpu.memory_space<semaphore_mem>>)
        %mul3A_114 = arith.constant 200 : i32
        %mul3A_115 = arith.muli %add3A_107, %mul3A_114 : i32
        %dma_start3A_116 = tpu.memref_slice %arg8[%mul3A_115] : memref<10000xi32, #tpu.memory_space<vmem>> -> memref<200xi32, #tpu.memory_space<vmem>>
        %dma_start3A_117 = arith.constant 0 : i32
        %dma_start3A_118 = arith.constant 0 : i32
        %dma_start3A_119 = tpu.memref_slice %arg2[%dma_start3A_117, %dma_start3A_118] : memref<10000x64xi32, #tpu.memory_space<hbm>> -> memref<10000x64xi32, #tpu.memory_space<hbm>>
        tpu.enqueue_indirect_dma source(%dma_start3A_119 : memref<10000x64xi32, #tpu.memory_space<hbm>>) target(%arg12 : memref<200x64xi32, #tpu.memory_space<vmem>>) offsets(%dma_start3A_116 : memref<200xi32, #tpu.memory_space<vmem>>) semaphore(%arg17 : memref<!tpu.dma_semaphore, #tpu.memory_space<semaphore_mem>>)
      } else {
      }
      scf.yield %scan3A_97 : vector<16xf32>
    }
    %scan3A_51 = arith.constant 25 : i32
    %mul3A_52 = arith.constant 6.250000e-02 : f32
    %mul3A_53 = vector.broadcast %mul3A_52 : f32 to vector<16xf32>
    %mul3A_54 = arith.mulf %scan3A_50, %mul3A_53 : vector<16xf32>
    %swap3A = arith.constant 0 : index
    %swap3A_55 = tpu.vector_load %arg13[%swap3A] {strides = array<i32>} : memref<16xf32, #tpu.memory_space<vmem>>, vector<16xf32>,
    tpu.vector_store %arg13[%swap3A], %mul3A_54 {strides = array<i32>} : memref<16xf32, #tpu.memory_space<vmem>>, vector<16xf32>,
    "tpu.region"() ({
      %run_scoped3A = tpu.sem_alloc : memref<!tpu.dma_semaphore, #tpu.memory_space<semaphore_mem>>
      %dma_start3A_56 = arith.constant 0 : i32
      %dma_start3A_57 = tpu.memref_slice %arg6[%add3A, %dma_start3A_56] : memref<32x16xf32, #tpu.memory_space<hbm>> -> memref<1x16xf32, #tpu.memory_space<hbm>>
      %dma_start3A_58 = tpu.memref_squeeze %dma_start3A_57 : memref<1x16xf32, #tpu.memory_space<hbm>> -> memref<16xf32, #tpu.memory_space<hbm>>
      %dma_start3A_59 = arith.constant 0 : i32
      %dma_start3A_60 = tpu.memref_slice %arg6[%add3A, %dma_start3A_59] : memref<32x16xf32, #tpu.memory_space<hbm>> -> memref<1x16xf32, #tpu.memory_space<hbm>>
      %dma_start3A_61 = tpu.memref_squeeze %dma_start3A_60 : memref<1x16xf32, #tpu.memory_space<hbm>> -> memref<16xf32, #tpu.memory_space<hbm>>
      tpu.enqueue_dma source(%arg13 : memref<16xf32, #tpu.memory_space<vmem>>) target(%dma_start3A_61 : memref<16xf32, #tpu.memory_space<hbm>>) target_semaphore(%run_scoped3A : memref<!tpu.dma_semaphore, #tpu.memory_space<semaphore_mem>>)
      %dma_wait3A = arith.constant 0 : i32
      %dma_wait3A_62 = tpu.memref_slice %arg6[%add3A, %dma_wait3A] : memref<32x16xf32, #tpu.memory_space<hbm>> -> memref<1x16xf32, #tpu.memory_space<hbm>>
      %dma_wait3A_63 = tpu.memref_squeeze %dma_wait3A_62 : memref<1x16xf32, #tpu.memory_space<hbm>> -> memref<16xf32, #tpu.memory_space<hbm>>
      %dma_wait3A_64 = arith.constant 0 : i32
      %dma_wait3A_65 = tpu.memref_slice %arg6[%add3A, %dma_wait3A_64] : memref<32x16xf32, #tpu.memory_space<hbm>> -> memref<1x16xf32, #tpu.memory_space<hbm>>
      %dma_wait3A_66 = tpu.memref_squeeze %dma_wait3A_65 : memref<1x16xf32, #tpu.memory_space<hbm>> -> memref<16xf32, #tpu.memory_space<hbm>>
      tpu.wait_dma2 semaphore(%run_scoped3A : memref<!tpu.dma_semaphore, #tpu.memory_space<semaphore_mem>>) src(%arg13 : memref<16xf32, #tpu.memory_space<vmem>>) dst(%dma_wait3A_66 : memref<16xf32, #tpu.memory_space<hbm>>)
      tpu.yield
    }) : () -> ()
    return
  }
}

module attributes {stable_mosaic.version = 14 : i64} {
  func.func @_norm_body(%arg0: memref<10000x128xf32, #tpu.memory_space<vmem>>, %arg1: memref<10000x128xbf16, #tpu.memory_space<vmem>>) attributes {dimension_semantics = [], scalar_prefetch = 0 : i64, scratch_operands = 0 : i64, tpu.core_type = #tpu.core_type<tc>} {
    %get3A = arith.constant 0 : index
    %get3A_0 = arith.constant 0 : index
    %get3A_1 = vector.load %arg0[%get3A, %get3A_0] : memref<10000x128xf32, #tpu.memory_space<vmem>>, vector<10000x128xf32>
    %mul3A = arith.mulf %get3A_1, %get3A_1 : vector<10000x128xf32>
    %reduce_sum3A = arith.constant dense<0.000000e+00> : vector<10000xf32>
    %reduce_sum3A_2 = vector.multi_reduction <add>, %mul3A, %reduce_sum3A [1] : vector<10000x128xf32> to vector<10000xf32>
    %broadcast_in_dim3A = vector.shape_cast %reduce_sum3A_2 : vector<10000xf32> to vector<10000x1xf32>
    %sqrt3A = math.sqrt %broadcast_in_dim3A : vector<10000x1xf32>
    %max3A = arith.constant 9.99999993E-9 : f32
    %max3A_3 = vector.broadcast %max3A : f32 to vector<10000x1xf32>
    %max3A_4 = arith.maximumf %sqrt3A, %max3A_3 : vector<10000x1xf32>
    %div3A = arith.constant 1.000000e+00 : f32
    %div3A_5 = vector.broadcast %div3A : f32 to vector<10000x1xf32>
    %div3A_6 = arith.divf %div3A_5, %max3A_4 : vector<10000x1xf32>
    %mul3A_7 = vector.broadcast %div3A_6 : vector<10000x1xf32> to vector<10000x128xf32>
    %mul3A_8 = arith.mulf %get3A_1, %mul3A_7 : vector<10000x128xf32>
    %convert_element_type3A = arith.truncf %mul3A_8 : vector<10000x128xf32> to vector<10000x128xbf16>
    %swap3A = arith.constant 0 : index
    %swap3A_9 = arith.constant 0 : index
    %swap3A_10 = vector.load %arg1[%swap3A, %swap3A_9] : memref<10000x128xbf16, #tpu.memory_space<vmem>>, vector<10000x128xbf16>
    tpu.vector_store %arg1[%swap3A, %swap3A_9], %convert_element_type3A {strides = array<i32>} : memref<10000x128xbf16, #tpu.memory_space<vmem>>, vector<10000x128xbf16>,
    return
  }
}

</mosaic_0001>

<sc_bundles>
// kernel: kernel.4.cloned.1.call-start
scs
__scs_entry_jumppad:
0x0: {  	(pc) =	sbr.rel $0x88, $3  }
0x1: {  	(tag) =	ssettag $0x0;
	lr =	simm.s32 $0x1  }
0x2: {  	[smem:$0x3F9E] =	sst lr;
	_ =	strace $0xD0000000  }
0x3: {  	_ = 	snop  }
0x4: {  	_ = 	snop  }
0x5: {  	_ = 	snop  }
0x6: {  	_ = 	snop  }
0x7: {  	_ = 	snop  }
__scs_overlays_trampoline_lowered:
0x8: {  	[smem:$0x3FAD] =	sst s0  }
0x9: {  	[smem:$0x3FAE] =	sst s1  }
0xa: {  	[smem:$0x3FAF] =	sst s2  }
0xb: {  	[smem:$0x3FB0] =	sst s3  }
0xc: {  	[smem:$0x3FB1] =	sst s4  }
0xd: {  	[smem:$0x3FB2] =	sst s5  }
0xe: {  	[smem:$0x3FB3] =	sst s6  }
0xf: {  	[smem:$0x3FB4] =	sst s7  }
0x10: {  	[smem:$0x3FB5] =	sst s8  }
0x11: {  	[smem:$0x3FB6] =	sst s9;
	s0 =	simm.s32 @!p0 $0x0  }
0x12: {  	s1 =	sld [smem:$0x3F9C];
	s0 =	simm.s32 @p0 $0x1  }
0x13: {  	[smem:$0x3FB7] =	sst s0;
	s0 =	simm.s32 @!p1 $0x0  }
0x14: {  	s2 =	sld [smem:$0x3F9B];
	s0 =	simm.s32 @p1 $0x1  }
0x15: {  	[smem:$0x3FB8] =	sst s0;
	s0 =	simm.s32 @!p2 $0x0  }
0x16: {  	s3 =	sld [smem:$0x3FDB];
	s0 =	simm.s32 @p2 $0x1  }
0x17: {  	s4 =	simm.s32 $0x1BF5;
	[smem:$0x3FBA] =	sst s0  }
0x18: {  	s0 =	sld [smem:$0x3F9D];
	_ =	swait.ge [sflag:s4], $0x0  }
0x19: {  	s7 =	sld [smem:$0x3F9E]  }
0x1a: {  	s8 =	sadd.s32 $0xFFFFE003, lr  }
0x1b: {  	s9 =	sadd.s32 $0xFFFFFEF7, lr;
	s5 =	simm.s32 $0xFFFFFFFF;
	p2 =	slt.u32 s8, $0xFFFFF086  }
0x1c: {  	p1 =	slt.u32 s9, $0xF7A;
	s5 =	simm.s32 @!p2 $0x0  }
0x1d: {  	s5 =	simm.s32 @p1 $0x1;
	p0 =	seq.s32 s7, s2  }
0x1e: {  	s7 =	smul.u32 @!p0 $0xF7A, s2;
	p2 =	seq.s32 @!p0 s5, $0x0  }
0x1f: {  	s9 =	smul.u32 $0xF7A, s1;
	s8 =	simm.s32 @!p0 $0x1BF5;
	p2 =	por !p2, p0  }
0x20: {  	[sflag:s8] =	ssyncset.s32 @!p0 $0xFFFFF086;
	s6 =	sadd.s32 @!p0 s3, s7;
	s7 =	simm.s32 @!p0 $0x108  }
0x21: {  	s3 =	sadd.s32 s3, s9;
	s6 =	sadd.s32 @!p0 $0x88, s6;
	s7 =	simm.s32 @p2 $0x1082  }
0x22: {  	[simem:s7], [sflag:s8] =	dma.local @!p0 [hbm:s6], $0xF7A  }
0x23: {  	s9 =	sor.u32 $0xD0000000, s2;
	s6 =	simm.s32 $0x108;
	_ =	swait.ge @!p0 [sflag:s8], $0x0  }
0x24: {  	s3 =	sadd.s32 $0x88, s3;
	s6 =	simm.s32 @!p1 $0x1082;
	[sflag:s4] =	ssyncset.s32 $0xFFFFF086  }
0x25: {  	[simem:s6], [sflag:s4] =	dma.local [hbm:s3], $0xF7A  }
0x26: {  	[smem:$0x3F9E] =	sst s1;
	(tag) =	ssettag s2;
	_ =	strace s9  }
0x27: {  	s1 =	sld [smem:$0x3FAE]  }
0x28: {  	s2 =	sld [smem:$0x3FAF]  }
0x29: {  	s4 =	sld [smem:$0x3FB1]  }
0x2a: {  	p0 =	seq.s32 s5, $0x0;
	s5 =	sld [smem:$0x3FB2]  }
0x2b: {  	s6 =	sld [smem:$0x3FB3]  }
0x2c: {  	s7 =	sld [smem:$0x3FB4]  }
0x2d: {  	s3 =	simm.s32 $0x108;
	s8 =	sld [smem:$0x3FB5]  }
0x2e: {  	s3 =	simm.s32 @!p0 $0x1082;
	s9 =	sld [smem:$0x3FB6]  }
0x2f: {  	lr =	sadd.s32 s0, s3;
	s0 =	sld [smem:$0x3FAD]  }
0x30: {  	s3 =	sld [smem:$0x3FB0]  }
0x31: {  	[smem:$0x3FB9] =	sst s10  }
0x32: {  	s10 =	sld [smem:$0x3FB7];
	_ =	sdelay $0x3  }
0x33: {  	p0 =	seq.s32 s10, $0x1;
	s10 =	sld [smem:$0x3FB9];
	_ =	sdelay $0x3  }
0x34: {  	[smem:$0x3FB9] =	sst s10  }
0x35: {  	s10 =	sld [smem:$0x3FB8];
	_ =	sdelay $0x3  }
0x36: {  	p1 =	seq.s32 s10, $0x1;
	s10 =	sld [smem:$0x3FB9];
	_ =	sdelay $0x3  }
0x37: {  	[smem:$0x3FB9] =	sst s10  }
0x38: {  	s10 =	sld [smem:$0x3FBA]  }
0x39: {  	_ = 	snop;
	(pc) =	sbr.ind lr, $3  }
0x3a: {  	_ = 	snop  }
0x3b: {  	_ = 	snop  }
0x3c: {  	p2 =	seq.s32 s10, $0x1;
	s10 =	sld [smem:$0x3FB9]  }
0x3d: {  	_ =	shalt  }
0x3e: {  	_ =	shalt  }
0x3f: {  	_ =	shalt  }
0x40: {  	_ =	shalt  }
0x41: {  	_ =	shalt  }
0x42: {  	_ =	shalt  }
0x43: {  	_ =	shalt  }
0x44: {  	_ =	shalt  }
0x45: {  	_ =	shalt  }
0x46: {  	_ =	shalt  }
0x47: {  	_ =	shalt  }
0x48: {  	_ =	shalt  }
0x49: {  	_ =	shalt  }
0x4a: {  	_ =	shalt  }
0x4b: {  	_ =	shalt  }
0x4c: {  	_ =	shalt  }
0x4d: {  	_ =	shalt  }
0x4e: {  	_ =	shalt  }
0x4f: {  	_ =	shalt  }
0x50: {  	_ =	shalt  }
0x51: {  	_ =	shalt  }
0x52: {  	_ =	shalt  }
0x53: {  	_ =	shalt  }
0x54: {  	_ =	shalt  }
0x55: {  	_ =	shalt  }
0x56: {  	_ =	shalt  }
0x57: {  	_ =	shalt  }
0x58: {  	_ =	shalt  }
0x59: {  	_ =	shalt  }
0x5a: {  	_ =	shalt  }
0x5b: {  	_ =	shalt  }
0x5c: {  	_ =	shalt  }
0x5d: {  	_ =	shalt  }
0x5e: {  	_ =	shalt  }
0x5f: {  	_ =	shalt  }
0x60: {  	_ =	shalt  }
0x61: {  	_ =	shalt  }
0x62: {  	_ =	shalt  }
0x63: {  	_ =	shalt  }
0x64: {  	_ =	shalt  }
0x65: {  	_ =	shalt  }
0x66: {  	_ =	shalt  }
0x67: {  	_ =	shalt  }
0x68: {  	_ =	shalt  }
0x69: {  	_ =	shalt  }
0x6a: {  	_ =	shalt  }
0x6b: {  	_ =	shalt  }
0x6c: {  	_ =	shalt  }
0x6d: {  	_ =	shalt  }
0x6e: {  	_ =	shalt  }
0x6f: {  	_ =	shalt  }
0x70: {  	_ =	shalt  }
0x71: {  	_ =	shalt  }
0x72: {  	_ =	shalt  }
0x73: {  	_ =	shalt  }
0x74: {  	_ =	shalt  }
0x75: {  	_ =	shalt  }
0x76: {  	_ =	shalt  }
0x77: {  	_ =	shalt  }
0x78: {  	_ =	shalt  }
0x79: {  	_ =	shalt  }
0x7a: {  	_ =	shalt  }
0x7b: {  	_ =	shalt  }
0x7c: {  	_ =	shalt  }
0x7d: {  	_ =	shalt  }
0x7e: {  	_ =	shalt  }
0x7f: {  	_ =	shalt  }
0x80: {  	_ =	shalt  }
0x81: {  	_ =	shalt  }
0x82: {  	_ =	shalt  }
0x83: {  	_ =	shalt  }
0x84: {  	_ =	shalt  }
0x85: {  	_ =	shalt  }
0x86: {  	_ =	shalt  }
0x87: {  	_ =	shalt  }
.Lfunc_end0:
.L_simem_size_0:
called_computation_lowered:
.L_overlay_start_0:
0x88: {  	s2 =	sld [smem:$0x3FD9]  }
0x89: {  	s3 =	sld [smem:$0x3FFE];
	_ =	sdelay $0x1  }
0x8a: {  	s1 =	srdreg.scid  }
0x8b: {  	s0 =	sand.u32 $0x1, s1  }
0x8c: {  	s17 =	sshll.u32 s0, $0xA;
	s2 =	sadd.s32 s3, s2  }
0x8d: {  	s2 =	sadd.s32 s2, s17  }
0x8e: {  	[smem:$0x3FC5] =	sst s2  }
0x8f: {  	_ = 	snop  }
0x90: {  	s2 =	sld [smem:$0x3FD0];
	(tm) =	ssettm $0x1  }
0x91: {  	s18 =	sld [smem:$0x3FFB];
	_ =	sdelay $0x3  }
0x92: {  	_ =	strace s18  }
0x93: {  	s3 =	sld [smem:$0x3FFC];
	_ =	sdelay $0x3  }
0x94: {  	_ =	strace s3  }
0x95: {  	s3 =	sld [smem:$0x3FFD];
	_ =	sdelay $0x3  }
0x96: {  	_ =	strace s3  }
0x97: {  	_ =	strace $0x8FFFFFFF  }
0x98: {  	s19 =	sld [smem:$0x3FDB];
	_ =	sdelay $0x1  }
0x99: {  	s4 =	simm.s32 $_scs_section_size  }
0x9a: {  	s5 =	simm.s32 $_size__tile_overlayer_lowered;
	s6 =	simm.s32 $_tile_overlayer_lowered  }
0x9b: {  	s22 =	simm.s32 $0x1BFF;
	s21 =	sshll.u32 s6, $0x1;
	s3 =	sadd.s32 s4, s19  }
0x9c: {  	s7 =	simm.s32 $0x0;
	s20 =	sshll.u32 s5, $0x1;
	s5 =	sadd.s32 s21, s3  }
0x9d: {  	[timem:s7], [sflag:s22] =	dma.local [hbm:s5], s20  }
0x9e: {  	_ =	swait.ge [sflag:s22], s20  }
0x9f: {  	s4 =	ssub.s32 $0x0, s20;
	[sflag:s22] =	ssyncset.done $0x0  }
0xa0: {  	[sflag:s22] =	ssyncadd.s32 s4;
	_ =	sdelay $0x1  }
0xa1: {  	s23 =	simm.s32 $0x1B8B  }
0xa2: {  	_ =	swait.ge [sflag:s23], $0x1  }
0xa3: {  	[sflag:s23] =	ssyncset.done $0x0  }
0xa4: {  	s25 =	simm.s32 $0x1B8E;
	s24 =	sld [smem:$0x3FFE];
	[sflag:s23] =	ssyncadd.s32 $0xFFFFFFFF  }
0xa5: {  	s26 =	simm.s32 $execute0_lowered;
	[smem:$0x3FD2] =	sst s25  }
0xa6: {  	s5 =	sshll.u32 s26, $0x1;
	_ =	strace $0x80000046;
	[dreg:$0x1] =	wrdreg $0xFFFFFFFF  }
0xa7: {  	s28 =	simm.s32 $_size_execute0_lowered;
	s3 =	sadd.s32 s3, s5;
	[dreg:$0x0] =	wrdreg $0x0  }
0xa8: {  	s5 =	sshll.u32 s28, $0x1;
	[dreg:$0x2] =	wrdreg s3  }
0xa9: {  	[dreg:$0x3] =	wrdreg s5  }
0xaa: {  	[dreg:$0x4] =	wrdreg $0xC0  }
0xab: {  	_ =	task [dreg:s7], $0x5FFFF  }
0xac: {  	[dreg:$0x1] =	wrdreg $0xFFFFFFFF  }
0xad: {  	[dreg:$0x0] =	wrdreg $0x60  }
0xae: {  	[dreg:$0x2] =	wrdreg s24  }
0xaf: {  	[dreg:$0x3] =	wrdreg s2  }
0xb0: {  	[dreg:$0x4] =	wrdreg $0x9  }
0xb1: {  	_ =	task.clear_ibuf [dreg:s7], $0x5FFFF;
	_ =	strace $0x90000046  }
0xb2: {  	s29 =	simm.s32 $0x9;
	_ =	strace $0x80000048  }
0xb3: {  	_ =	swait.ge [sflag:s29], $0x1  }
0xb4: {  	[sflag:s29] =	ssyncadd.s32 $0xFFFFFFFF  }
0xb5: {  	_ =	strace $0x90000048  }
0xb6: {  	_ =	sfence  }
0xb7: {  	s30 =	sld [smem:$0x0];
	_ =	sdelay $0x2  }
0xb8: {  	s31 =	sshll.u32 s1, $0xD;
	s1 =	sshrl.u32 s1, $0x2  }
0xb9: {  	s3 =	sand.u32 $0x4000, s31;
	s1 =	sadd.s32 s1, s30  }
0xba: {  	s0 =	sor.u32 s3, s0;
	s1 =	sshll.u32 s1, $0x11  }
0xbb: {  	s0 =	sor.u32 s1, s0  }
0xbc: {  	s0 =	sadd.s32 $0x8F2B, s0  }
0xbd: {  	[sflag:s0] =	ssyncadd.remote.s32 $0x1  }
0xbe: {  	_ =	sfence.sel $0xFFFF  }
0xbf: {  	[dreg:$0x0] =	wrdreg $0xFFFFFFFF;
	(pc) =	sbr.abs _section_cstart, $3  }
0xc0: {  	[dreg:$0x1] =	wrdreg $0xFFFFFFFF  }
0xc1: {  	_ =	task.clear_ibuf [dreg:s7], $0x2FFFF;
	_ =	strace $0x9FFFFFFF  }
0xc2: {  	(tm) =	ssettm $0x7FFFFFFF  }
0xc3: {  	_ =	shalt  }
tec
execute0_lowered:
.L_overlay_start_1:
0x0: {  	(tag) =	ssettag $0x1  }
0x1: {  	v0 =	vimm.s32 $0xFEDCBA98;
	s0 =	rddreg [dreg:$0x0];
	v1 =	vimm.s32 $0x76543210  }
0x2: {  	s2 =	srdreg.scid;
	s1 =	rddreg [dreg:$0x1];
	s3 =	simm.s32 $0x0;
	v2 =	vimm.s32 $0x3210FEDC;
	v3 =	vimm.s32 $0xBA987654;
	v4 =	vimm.s32 $0x10FEDCBA  }
0x3: {  	s4 =	rddreg [dreg:$0x2];
	v5 =	vimm.s32 $0x98765432;
	v6 =	vimm.s32 $0xFEDCBA9;
	s10 =	simm.s32 $0x2710;
	s11 =	simm.s32 $0x11620  }
0x4: {  	v7 =	vimm.s32 $0x87654321;
	s12 =	simm.s32 $0xC8;
	s13 =	simm.s32 $0x4E20;
	s14 =	simm.s32 $0xB220  }
0x5: {  	s15 =	simm.s32 $0x8020;
	s16 =	simm.s32 $0x27D8;
	v0 =	vunpack.c.l.s4.s8 v0;
	s5 =	sand.u32 $0x1, s2;
	v1 =	vunpack.c.l.s4.s8 v1;
	v2 =	vunpack.c.l.s4.s8 v2  }
0x6: {  	s17 =	simm.s32 $0xE420;
	s2 =	stileid.u32;
	v3 =	vunpack.c.l.s4.s8 v3;
	v4 =	vunpack.c.l.s4.s8 v4;
	v5 =	vunpack.c.l.s4.s8 v5;
	s6 =	sshll.u32 s5, $0x4  }
0x7: {  	s18 =	simm.s32 $0x1;
	s19 =	simm.s32 $0x3;
	v6 =	vunpack.c.l.s4.s8 v6;
	v7 =	vunpack.c.l.s4.s8 v7;
	v0 =	vunpack.c.0.s8.s32 v0;
	s6 =	sor.u32 s2, s6  }
0x8: {  	s20 =	simm.s32 $0x2;
	s21 =	simm.s32 $0x4;
	v2 =	vunpack.c.0.s8.s32 v2;
	v3 =	vunpack.c.0.s8.s32 v3;
	v4 =	vunpack.c.0.s8.s32 v4;
	s7 =	smul.u32 $0x4E2, s6  }
.Ltmp0:
0x9: {  	[smem:$0x7FF] =	sst s3;
	s5 =	ssub.s32 $0x2, s5;
	v5 =	vunpack.c.0.s8.s32 v5;
	v6 =	vunpack.c.0.s8.s32 v6;
	v7 =	vunpack.c.0.s8.s32 v7;
	(pc) =	sbr.rel .LBB2_1-.Ltmp0, $4  }
0xa: {  	s22 =	simm.s32 $0x0;
	_ =	strace $0x80000047;
	s8 =	sshrl.u32 s5, $0x1;
	v1 =	vunpack.c.0.s8.s32 v1;
	v2 =	vcombine.low v3, v2  }
0xb: {  	s6 =	sshll.u32 s6, $0x1;
	s8 =	ssub.s32 s5, s8;
	v3 =	vcombine.low v5, v4;
	v4 =	vcombine.low v7, v6;
	v0 =	vand.u32 $0xF, v0;
	s7 =	sadd.s32 s7, s0  }
0xc: {  	s9 =	sadd.s32 s6, s0;
	s8 =	smax.u32 s8, $0x1;
	v0 =	vcombine.low v0, v1;
	s5 =	sadd.s32 $0x1D800, s7  }
0xd: {  	s6 =	sadd.s32 $0x13A00, s7;
	s7 =	sadd.s32 $0x27600, s9;
	s9 =	simm.s32 $0x5;
	v1 =	vand.u32 $0xF, v2;
	v2 =	vand.u32 $0xF, v3;
	v3 =	vand.u32 $0xF, v4  }
.LBB2_8:
0xe: {  	v4 =	vmul.f32 $6.250000000e-02, v5;
	s22 =	sadd.s32 $0x1, s22  }
0xf: {  	p0 =	sne.s32 s22, s8  }
.Ltmp1:
0x10: {  	[tilespmem:$0x11620] =	vst v4;
	(pc) =	sbr.rel @!p0 .LBB2_9-.Ltmp1, $4  }
0x11: {  	[hbm4b:s7+s3] =	stream.linear.scatter [tilespmem:s11], [sflag:$0x5], $0x10, $0x38;
	[tilespmem:$0x11630] =	vst v63  }
0x12: {  	_ =	swait.ge [sflag:s9], $0x10  }
0x13: {  	[sflag:s9] =	ssyncset.done $0x0  }
0x14: {  	[sflag:s9] =	ssyncadd.s32 $0xFFFFFFF0  }
.LBB2_1:
0x15: {  	[tilespmem:s3], [sflag:$0x5] =	stream.linear.gather [hbm4b:s5+s3], $0x2710, $0x38;
	[tilespmem:$0x11630] =	vst v63  }
0x16: {  	_ =	swait.ge [sflag:s9], $0x2710  }
0x17: {  	[sflag:s9] =	ssyncset.done $0x0  }
0x18: {  	[sflag:s9] =	ssyncadd.s32 $0xFFFFD8F0  }
0x19: {  	[tilespmem:s10], [sflag:$0x5] =	stream.linear.gather [hbm4b:s6+s3], $0x2710, $0x38;
	[tilespmem:$0x11630] =	vst v63  }
0x1a: {  	_ =	swait.ge [sflag:s9], $0x2710  }
0x1b: {  	[sflag:s9] =	ssyncset.done $0x0  }
0x1c: {  	[sflag:s9] =	ssyncadd.s32 $0xFFFFD8F0  }
0x1d: {  	[tilespmem:s11], [sflag:$0x5] =	stream.linear.gather [hbm4b:s1+s3], $0x10, $0x38;
	[tilespmem:$0x11630] =	vst v63  }
0x1e: {  	_ =	swait.ge [sflag:s9], $0x10  }
0x1f: {  	[sflag:s9] =	ssyncset.done $0x0  }
0x20: {  	[sflag:s9] =	ssyncadd.s32 $0xFFFFFFF0  }
0x21: {  	v4 =	vld [tilespmem:$0x11620];
	[tilespmem:s13], [sflag:$0x1] =	stream.indirect.gather [hbm4b:s0+s12], $0x40, s3, s12, $0xb8  }
0x22: {  	_ = 	snop  }
0x23: {  	[tilespmem:s14], [sflag:$0x3] =	stream.indirect.gather [hbm4b:s0+s12], $0x40, s10, s12, $0xb8;
	[tilespmem:$0x11630] =	vst v63  }
0x24: {  	_ = 	snop  }
0x25: {  	[tilespmem:s15], [sflag:$0x2] =	stream.indirect.gather [hbm4b:s0+s12], $0x40, s12, s12, $0xb8;
	[tilespmem:$0x11630] =	vst v63  }
0x26: {  	s23 =	simm.s32 $0x0  }
0x27: {  	v5 =	vimm.f32 $0.0e+00;
	[tilespmem:s17], [sflag:$0x4] =	stream.indirect.gather [hbm4b:s0+s12], $0x40, s16, s12, $0xb8;
	[tilespmem:$0x11630] =	vst v63  }
.LBB2_2:
0x28: {  	_ =	swait.ge [sflag:s18], $0x3200  }
0x29: {  	[sflag:s18] =	ssyncset.done $0x0  }
0x2a: {  	[sflag:s18] =	ssyncadd.s32 $0xFFFFCE00  }
0x2b: {  	_ =	swait.ge [sflag:s19], $0x3200  }
0x2c: {  	[sflag:s19] =	ssyncset.done $0x0  }
0x2d: {  	s24 =	simm.s32 $0x0;
	[sflag:s19] =	ssyncadd.s32 $0xFFFFCE00  }
0x2e: {  	v6 =	vld [tilespmem:s24+$0x4FE0]  }
0x2f: {  	v7 =	vld [tilespmem:s24+$0xB3E0]  }
0x30: {  	v8 =	vld [tilespmem:s24+$0x4FF0]  }
0x31: {  	v9 =	vld [tilespmem:s24+$0xB3F0]  }
0x32: {  	v10 =	vld [tilespmem:s24+$0x5000]  }
0x33: {  	v11 =	vld [tilespmem:s24+$0xB400]  }
0x34: {  	v12 =	vld [tilespmem:s24+$0x5010]  }
0x35: {  	v13 =	vld [tilespmem:s24+$0xB410]  }
0x36: {  	v14 =	vld [tilespmem:s24+$0x4FA0]  }
0x37: {  	v15 =	vld [tilespmem:s24+$0xB3A0]  }
0x38: {  	v16 =	vld [tilespmem:s24+$0x4FB0]  }
0x39: {  	v17 =	vld [tilespmem:s24+$0xB3B0]  }
0x3a: {  	v18 =	vld [tilespmem:s24+$0x4FC0]  }
0x3b: {  	v19 =	vld [tilespmem:s24+$0xB3C0]  }
0x3c: {  	v20 =	vld [tilespmem:s24+$0x4FD0]  }
0x3d: {  	v21 =	vld [tilespmem:s24+$0xB3D0]  }
0x3e: {  	v22 =	vld [tilespmem:s24+$0x4F60]  }
0x3f: {  	v23 =	vld [tilespmem:s24+$0xB360]  }
0x40: {  	v24 =	vld [tilespmem:s24+$0x4F70]  }
0x41: {  	v25 =	vld [tilespmem:s24+$0xB370]  }
0x42: {  	v26 =	vld [tilespmem:s24+$0x4F80]  }
0x43: {  	v27 =	vld [tilespmem:s24+$0xB380]  }
0x44: {  	v28 =	vld [tilespmem:s24+$0x4F90]  }
0x45: {  	v29 =	vld [tilespmem:s24+$0xB390]  }
0x46: {  	v30 =	vld [tilespmem:s24+$0x4F20]  }
0x47: {  	v31 =	vld [tilespmem:s24+$0xB320]  }
0x48: {  	v32 =	vld [tilespmem:s24+$0x4F30]  }
0x49: {  	v33 =	vld [tilespmem:s24+$0xB330]  }
0x4a: {  	v34 =	vld [tilespmem:s24+$0x4F40]  }
0x4b: {  	v35 =	vld [tilespmem:s24+$0xB340]  }
0x4c: {  	v36 =	vld [tilespmem:s24+$0x4F50]  }
0x4d: {  	v37 =	vld [tilespmem:s24+$0xB350]  }
0x4e: {  	v38 =	vld [tilespmem:s24+$0x4EE0]  }
0x4f: {  	v39 =	vld [tilespmem:s24+$0xB2E0]  }
0x50: {  	v40 =	vld [tilespmem:s24+$0x4EF0]  }
0x51: {  	v41 =	vld [tilespmem:s24+$0xB2F0]  }
0x52: {  	v42 =	vld [tilespmem:s24+$0x4F00]  }
0x53: {  	v43 =	vld [tilespmem:s24+$0xB300]  }
0x54: {  	v44 =	vld [tilespmem:s24+$0x4F10]  }
0x55: {  	v45 =	vld [tilespmem:s24+$0xB310]  }
0x56: {  	v46 =	vld [tilespmem:s24+$0x4EA0]  }
0x57: {  	v47 =	vld [tilespmem:s24+$0xB2A0]  }
0x58: {  	v48 =	vld [tilespmem:s24+$0x4EB0]  }
0x59: {  	v49 =	vld [tilespmem:s24+$0xB2B0]  }
0x5a: {  	v50 =	vld [tilespmem:s24+$0x4EC0]  }
0x5b: {  	v51 =	vld [tilespmem:s24+$0xB2C0]  }
0x5c: {  	v52 =	vld [tilespmem:s24+$0x4ED0]  }
0x5d: {  	v53 =	vld [tilespmem:s24+$0xB2D0]  }
0x5e: {  	v54 =	vld [tilespmem:s24+$0x4E60]  }
0x5f: {  	v55 =	vld [tilespmem:s24+$0xB260]  }
0x60: {  	v61 =	vld [tilespmem:s24+$0xB230];
	v6 =	vmul.bf16 v7, v6;
	v7 =	vmul.bf16 v9, v8  }
0x61: {  	v62 =	vld [tilespmem:s24+$0x4E40];
	v9 =	vmul.bf16 v11, v10;
	v10 =	vmul.bf16 v13, v12  }
0x62: {  	v63 =	vld [tilespmem:s24+$0xB240];
	v12 =	vmul.bf16 v15, v14;
	v14 =	vmul.bf16 v17, v16  }
0x63: {  	v8 =	vld [tilespmem:s24+$0x4E70];
	v56 =	vmul.bf16 v19, v18;
	v20 =	vmul.bf16 v21, v20  }
0x64: {  	v11 =	vld [tilespmem:s24+$0xB270];
	v57 =	vmul.bf16 v23, v22;
	v24 =	vmul.bf16 v25, v24  }
0x65: {  	v16 =	vld [tilespmem:s24+$0x4E80];
	v58 =	vmul.bf16 v27, v26;
	v28 =	vmul.bf16 v29, v28  }
0x66: {  	v17 =	vld [tilespmem:s24+$0xB280];
	v29 =	vmul.bf16 v31, v30;
	v30 =	vmul.bf16 v33, v32  }
0x67: {  	v32 =	vld [tilespmem:s24+$0x4E20];
	v59 =	vmul.bf16 v35, v34;
	v36 =	vmul.bf16 v37, v36  }
0x68: {  	v33 =	vld [tilespmem:s24+$0xB220];
	v38 =	vmul.bf16 v39, v38;
	v39 =	vmul.bf16 v41, v40  }
0x69: {  	v23 =	vld [tilespmem:s24+$0x4E90];
	v40 =	vmul.bf16 v43, v42;
	v60 =	vmul.bf16 v45, v44  }
0x6a: {  	v26 =	vld [tilespmem:s24+$0xB290];
	v13 =	vmul.bf16 v47, v46;
	v15 =	vmul.bf16 v49, v48  }
0x6b: {  	v35 =	vld [tilespmem:s24+$0x4E30];
	v18 =	vmul.bf16 v51, v50;
	v21 =	vmul.bf16 v53, v52  }
0x6c: {  	v22 =	vmul.bf16 v55, v54;
	v34 =	vld [tilespmem:s24+$0x4E50];
	v37 =	vmul.bf16 v63, v62  }
0x6d: {  	v19 =	vadd.bf16 v10, v9;
	v33 =	vmul.bf16 v33, v32;
	v32 =	vadd.bf16 v36, v59;
	v36 =	vld [tilespmem:s24+$0xB250]  }
0x6e: {  	v29 =	vadd.bf16 v30, v29;
	v30 =	vadd.bf16 v60, v40;
	v27 =	vmul.bf16 v17, v16  }
0x6f: {  	v17 =	vadd.bf16 v7, v6;
	v31 =	vmul.bf16 v26, v23;
	v23 =	vadd.bf16 v14, v12  }
0x70: {  	v25 =	vmul.bf16 v11, v8;
	v26 =	vadd.bf16 v20, v56;
	v20 =	vadd.bf16 v24, v57  }
0x71: {  	v24 =	vadd.bf16 v28, v58;
	v35 =	vmul.bf16 v61, v35;
	v28 =	vadd.bf16 v39, v38;
	s24 =	simm.s32 $0x800  }
.LBB2_3:
0x72: {  	s25 =	sshra.s32 s24, $0x2;
	p0 =	sne.s32 s24, $0xC000;
	v8 =	vmul.bf16 v36, v34;
	v11 =	vadd.bf16 v15, v13;
	v12 =	vadd.bf16 v21, v18  }
0x73: {  	v13 =	vadd.bf16 v25, v22;
	v14 =	vadd.bf16 v31, v27;
	v6 =	vld [tilespmem:s25+$0x4FE0]  }
0x74: {  	v15 =	vadd.bf16 v35, v33;
	v7 =	vld [tilespmem:s25+$0xB3E0];
	v16 =	vadd.bf16 v8, v37  }
0x75: {  	v18 =	vadd.bf16 v26, v23;
	v17 =	vadd.bf16 v19, v17;
	v8 =	vld [tilespmem:s25+$0x4FF0]  }
0x76: {  	v19 =	vadd.bf16 v32, v29;
	v20 =	vadd.bf16 v24, v20;
	v9 =	vld [tilespmem:s25+$0xB3F0]  }
0x77: {  	v22 =	vadd.bf16 v30, v28;
	v21 =	vadd.bf16 v12, v11;
	v10 =	vld [tilespmem:s25+$0x5000]  }
0x78: {  	v24 =	vadd.bf16 v14, v13;
	v25 =	vunpack.i.u.bf16.f32 v17;
	v23 =	vadd.bf16 v16, v15;
	v11 =	vld [tilespmem:s25+$0xB400]  }
0x79: {  	v26 =	vunpack.i.u.bf16.f32 v18;
	v18 =	vunpack.i.l.bf16.f32 v18;
	v17 =	vunpack.i.l.bf16.f32 v17;
	v12 =	vld [tilespmem:s25+$0x5010]  }
0x7a: {  	v27 =	vunpack.i.u.bf16.f32 v19;
	v28 =	vunpack.i.u.bf16.f32 v20;
	v20 =	vunpack.i.l.bf16.f32 v20;
	v13 =	vld [tilespmem:s25+$0xB410]  }
0x7b: {  	v19 =	vunpack.i.l.bf16.f32 v19;
	v29 =	vunpack.i.u.bf16.f32 v22;
	v22 =	vunpack.i.l.bf16.f32 v22;
	v14 =	vld [tilespmem:s25+$0x4FA0]  }
0x7c: {  	v31 =	vunpack.i.u.bf16.f32 v21;
	v21 =	vunpack.i.l.bf16.f32 v21;
	v30 =	vunpack.i.u.bf16.f32 v23;
	v15 =	vld [tilespmem:s25+$0xB3A0]  }
0x7d: {  	v26 =	vadd.f32 v18, v26;
	v25 =	vadd.f32 v17, v25;
	v23 =	vunpack.i.l.bf16.f32 v23;
	v16 =	vld [tilespmem:s25+$0x4FB0]  }
0x7e: {  	v28 =	vadd.f32 v20, v28;
	v23 =	vadd.f32 v23, v30;
	v30 =	vunpack.i.u.bf16.f32 v24;
	v17 =	vld [tilespmem:s25+$0xB3B0]  }
0x7f: {  	v27 =	vadd.f32 v19, v27;
	v20 =	vunpack.i.l.bf16.f32 v24;
	v29 =	vadd.f32 v22, v29;
	v18 =	vld [tilespmem:s25+$0x4FC0]  }
0x80: {  	v24 =	vadd.f32 v20, v30;
	v30 =	vperm.xlane v25, v0;
	v22 =	vperm.xlane v23, v0;
	v19 =	vld [tilespmem:s25+$0xB3C0]  }
0x81: {  	v31 =	vadd.f32 v21, v31;
	v32 =	vperm.xlane v28, v0;
	v33 =	vperm.xlane v26, v0;
	v20 =	vld [tilespmem:s25+$0x4FD0]  }
0x82: {  	v36 =	vperm.xlane v27, v0;
	v35 =	vperm.xlane v24, v0;
	v34 =	vadd.f32 v22, v23;
	v21 =	vld [tilespmem:s25+$0xB3D0]  }
0x83: {  	v37 =	vperm.xlane v31, v0;
	v33 =	vadd.f32 v33, v26;
	v30 =	vadd.f32 v30, v25;
	v22 =	vld [tilespmem:s25+$0x4F60]  }
0x84: {  	v32 =	vadd.f32 v32, v28;
	v35 =	vadd.f32 v35, v24;
	v26 =	vperm.xlane v34, v1;
	v23 =	vld [tilespmem:s25+$0xB360]  }
0x85: {  	v28 =	vperm.xlane v29, v0;
	v36 =	vadd.f32 v36, v27;
	v31 =	vadd.f32 v37, v31;
	v24 =	vld [tilespmem:s25+$0x4F70]  }
0x86: {  	v38 =	vperm.xlane v30, v1;
	v37 =	vperm.xlane v35, v1;
	v34 =	vadd.f32 v26, v34;
	v25 =	vld [tilespmem:s25+$0xB370]  }
0x87: {  	v39 =	vadd.f32 v28, v29;
	v40 =	vperm.xlane v32, v1;
	v29 =	vperm.xlane v33, v1;
	v26 =	vld [tilespmem:s25+$0x4F80]  }
0x88: {  	v35 =	vadd.f32 v37, v35;
	v37 =	vperm.xlane v31, v1;
	v41 =	vperm.xlane v34, v2;
	v27 =	vld [tilespmem:s25+$0xB380]  }
0x89: {  	v42 =	vperm.xlane v39, v1;
	v33 =	vadd.f32 v29, v33;
	v38 =	vadd.f32 v38, v30;
	v28 =	vld [tilespmem:s25+$0x4F90]  }
0x8a: {  	v37 =	vadd.f32 v37, v31;
	v34 =	vadd.f32 v41, v34;
	v41 =	vperm.xlane v35, v2;
	v29 =	vld [tilespmem:s25+$0xB390]  }
0x8b: {  	v32 =	vadd.f32 v40, v32;
	v39 =	vadd.f32 v42, v39;
	v42 =	vperm.xlane v36, v1;
	v30 =	vld [tilespmem:s25+$0x4F20]  }
0x8c: {  	v40 =	vperm.xlane v34, v3;
	v35 =	vadd.f32 v41, v35;
	v41 =	vperm.xlane v37, v2;
	v31 =	vld [tilespmem:s25+$0xB320]  }
0x8d: {  	v44 =	vperm.xlane v39, v2;
	v36 =	vadd.f32 v42, v36;
	v42 =	vperm.xlane v38, v2;
	v43 =	vld [tilespmem:s25+$0x4F30]  }
0x8e: {  	v34 =	vadd.f32 v40, v34;
	v40 =	vperm.xlane v35, v3;
	v37 =	vadd.f32 v41, v37;
	v45 =	vld [tilespmem:s25+$0xB330]  }
0x8f: {  	v46 =	vperm.xlane v33, v2;
	v39 =	vadd.f32 v44, v39;
	v44 =	vperm.xlane v36, v2;
	v41 =	vld [tilespmem:s25+$0x4F40]  }
0x90: {  	v34 =	vsub.f32 v4, v34;
	v35 =	vadd.f32 v40, v35;
	v40 =	vperm.xlane v37, v3;
	v47 =	vld [tilespmem:s25+$0xB340]  }
0x91: {  	v49 =	vperm.xlane v39, v3;
	v36 =	vadd.f32 v44, v36;
	v44 =	vperm.xlane v32, v2;
	v48 =	vld [tilespmem:s25+$0x4F50]  }
0x92: {  	v34 =	vmax.f32 v34, $0.0e+00;
	v35 =	vsub.f32 v4, v35;
	v37 =	vadd.f32 v40, v37;
	v50 =	vld [tilespmem:s25+$0xB350]  }
0x93: {  	v32 =	vadd.f32 v44, v32;
	v5 =	vadd.f32 v34, v5;
	v34 =	vperm.xlane v36, v3;
	v40 =	vld [tilespmem:s25+$0x4EE0]  }
0x94: {  	v39 =	vadd.f32 v49, v39;
	v35 =	vmax.f32 v35, $0.0e+00;
	v37 =	vsub.f32 v4, v37;
	v44 =	vld [tilespmem:s25+$0xB2E0]  }
0x95: {  	v33 =	vadd.f32 v46, v33;
	v5 =	vadd.f32 v35, v5;
	v35 =	vperm.xlane v32, v3;
	v49 =	vld [tilespmem:s25+$0x4EF0]  }
0x96: {  	v39 =	vsub.f32 v4, v39;
	v34 =	vadd.f32 v34, v36;
	v37 =	vmax.f32 v37, $0.0e+00;
	v46 =	vld [tilespmem:s25+$0xB2F0]  }
0x97: {  	v38 =	vadd.f32 v42, v38;
	v5 =	vadd.f32 v37, v5;
	v37 =	vperm.xlane v33, v3;
	v36 =	vld [tilespmem:s25+$0x4F00]  }
0x98: {  	v39 =	vmax.f32 v39, $0.0e+00;
	v34 =	vsub.f32 v4, v34;
	v32 =	vadd.f32 v35, v32;
	v42 =	vld [tilespmem:s25+$0xB300]  }
0x99: {  	v5 =	vadd.f32 v39, v5;
	v39 =	vperm.xlane v38, v3;
	v35 =	vld [tilespmem:s25+$0x4F10]  }
0x9a: {  	v34 =	vmax.f32 v34, $0.0e+00;
	v32 =	vsub.f32 v4, v32;
	v33 =	vadd.f32 v37, v33;
	v51 =	vld [tilespmem:s25+$0xB310]  }
0x9b: {  	v5 =	vadd.f32 v34, v5;
	v37 =	vld [tilespmem:s25+$0x4EA0]  }
0x9c: {  	v32 =	vmax.f32 v32, $0.0e+00;
	v33 =	vsub.f32 v4, v33;
	v38 =	vadd.f32 v39, v38;
	v34 =	vld [tilespmem:s25+$0xB2A0]  }
0x9d: {  	v5 =	vadd.f32 v32, v5;
	v39 =	vld [tilespmem:s25+$0x4EB0]  }
0x9e: {  	v33 =	vmax.f32 v33, $0.0e+00;
	v38 =	vsub.f32 v4, v38;
	v32 =	vld [tilespmem:s25+$0xB2B0]  }
0x9f: {  	v5 =	vadd.f32 v33, v5;
	v52 =	vld [tilespmem:s25+$0x4EC0]  }
0xa0: {  	v38 =	vmax.f32 v38, $0.0e+00;
	v33 =	vld [tilespmem:s25+$0xB2C0]  }
0xa1: {  	v5 =	vadd.f32 v38, v5;
	v53 =	vld [tilespmem:s25+$0x4ED0]  }
0xa2: {  	v38 =	vld [tilespmem:s25+$0xB2D0]  }
0xa3: {  	v54 =	vld [tilespmem:s25+$0x4E60]  }
0xa4: {  	v55 =	vld [tilespmem:s25+$0xB260]  }
0xa5: {  	v6 =	vmul.bf16 v7, v6;
	v7 =	vmul.bf16 v9, v8;
	v56 =	vld [tilespmem:s25+$0x4E70]  }
0xa6: {  	v9 =	vmul.bf16 v11, v10;
	v10 =	vmul.bf16 v13, v12;
	v8 =	vld [tilespmem:s25+$0xB270]  }
0xa7: {  	v12 =	vmul.bf16 v15, v14;
	v14 =	vmul.bf16 v17, v16;
	v11 =	vld [tilespmem:s25+$0x4E80]  }
0xa8: {  	v57 =	vmul.bf16 v19, v18;
	v20 =	vmul.bf16 v21, v20;
	v16 =	vld [tilespmem:s25+$0xB280]  }
0xa9: {  	v59 =	vmul.bf16 v23, v22;
	v24 =	vmul.bf16 v25, v24;
	v58 =	vld [tilespmem:s25+$0x4E90]  }
0xaa: {  	v60 =	vmul.bf16 v27, v26;
	v28 =	vmul.bf16 v29, v28;
	v23 =	vld [tilespmem:s25+$0xB290]  }
0xab: {  	v30 =	vmul.bf16 v31, v30;
	v43 =	vmul.bf16 v45, v43;
	v29 =	vld [tilespmem:s25+$0x4E20]  }
0xac: {  	v41 =	vmul.bf16 v47, v41;
	v47 =	vmul.bf16 v50, v48;
	v45 =	vld [tilespmem:s25+$0xB220]  }
0xad: {  	v40 =	vmul.bf16 v44, v40;
	v44 =	vmul.bf16 v46, v49;
	v48 =	vld [tilespmem:s25+$0x4E30]  }
0xae: {  	v42 =	vmul.bf16 v42, v36;
	v49 =	vmul.bf16 v51, v35;
	v46 =	vld [tilespmem:s25+$0xB230]  }
0xaf: {  	v13 =	vmul.bf16 v34, v37;
	v15 =	vmul.bf16 v32, v39;
	v50 =	vld [tilespmem:s25+$0x4E40]  }
0xb0: {  	v18 =	vmul.bf16 v33, v52;
	v21 =	vmul.bf16 v38, v53;
	v37 =	vld [tilespmem:s25+$0xB240]  }
0xb1: {  	v22 =	vmul.bf16 v55, v54;
	v25 =	vmul.bf16 v8, v56;
	v34 =	vld [tilespmem:s25+$0x4E50]  }
.Ltmp2:
0xb2: {  	v17 =	vadd.bf16 v7, v6;
	v19 =	vadd.bf16 v10, v9;
	v27 =	vmul.bf16 v16, v11;
	v36 =	vld [tilespmem:s25+$0xB250];
	(pc) =	sbr.rel @p0 .LBB2_3-.Ltmp2, $4  }
0xb3: {  	v26 =	vadd.bf16 v20, v57;
	v31 =	vmul.bf16 v23, v58;
	v23 =	vadd.bf16 v14, v12  }
0xb4: {  	v20 =	vadd.bf16 v24, v59;
	v24 =	vadd.bf16 v28, v60;
	v33 =	vmul.bf16 v45, v29  }
0xb5: {  	v32 =	vadd.bf16 v47, v41;
	v29 =	vadd.bf16 v43, v30;
	v35 =	vmul.bf16 v46, v48  }
0xb6: {  	s24 =	sadd.s32 $0x800, s24;
	v28 =	vadd.bf16 v44, v40;
	v30 =	vadd.bf16 v49, v42;
	v37 =	vmul.bf16 v37, v50  }
0xb7: {  	p0 =	seq.s32 s23, $0x18  }
0xb8: {  	s24 =	smul.u32 @!p0 $0x190, s23;
	_ =	sdelay $0x1  }
0xb9: {  	s26 =	simm.s32 @!p0 $0xC8;
	s28 =	simm.s32 @!p0 $0x4E20;
	s25 =	sadd.s32 @!p0 $0x190, s24  }
0xba: {  	[tilespmem:s28], [sflag:$0x1] =	stream.indirect.gather @!p0 [hbm4b:s0+s26], $0x40, s25, s26, $0xb8;
	[tilespmem:$0x11630] =	vst v63  }
0xbb: {  	s24 =	sadd.s32 @!p0 $0x28A0, s24;
	s25 =	simm.s32 @!p0 $0xB220  }
0xbc: {  	[tilespmem:s25], [sflag:$0x3] =	stream.indirect.gather @!p0 [hbm4b:s0+s26], $0x40, s24, s26, $0xb8;
	[tilespmem:$0x11630] =	vst v63  }
0xbd: {  	_ =	swait.ge [sflag:s20], $0x3200  }
0xbe: {  	[sflag:s20] =	ssyncset.done $0x0  }
0xbf: {  	[sflag:s20] =	ssyncadd.s32 $0xFFFFCE00  }
0xc0: {  	_ =	swait.ge [sflag:s21], $0x3200  }
0xc1: {  	[sflag:s21] =	ssyncset.done $0x0  }
0xc2: {  	s31 =	simm.s32 $0x0;
	[sflag:s21] =	ssyncadd.s32 $0xFFFFCE00  }
0xc3: {  	v14 =	vld [tilespmem:s31+$0x81E0]  }
0xc4: {  	v16 =	vld [tilespmem:s31+$0xE5E0]  }
0xc5: {  	v7 =	vld [tilespmem:s31+$0x81F0]  }
0xc6: {  	v10 =	vld [tilespmem:s31+$0xE5F0]  }
0xc7: {  	v8 =	vld [tilespmem:s31+$0x8200]  }
0xc8: {  	v11 =	vld [tilespmem:s31+$0xE600]  }
0xc9: {  	v9 =	vld [tilespmem:s31+$0x8210]  }
0xca: {  	v12 =	vld [tilespmem:s31+$0xE610]  }
0xcb: {  	v6 =	vld [tilespmem:s31+$0x81A0]  }
0xcc: {  	v58 =	vadd.bf16 v15, v13;
	v15 =	vld [tilespmem:s31+$0xE5A0]  }
0xcd: {  	v21 =	vadd.bf16 v21, v18;
	v13 =	vld [tilespmem:s31+$0x81B0]  }
0xce: {  	v22 =	vadd.bf16 v25, v22;
	v25 =	vadd.bf16 v31, v27;
	v18 =	vld [tilespmem:s31+$0xE5B0]  }
0xcf: {  	v23 =	vadd.bf16 v26, v23;
	v26 =	vadd.bf16 v19, v17;
	v17 =	vld [tilespmem:s31+$0x81C0]  }
0xd0: {  	v34 =	vmul.bf16 v36, v34;
	v27 =	vadd.bf16 v35, v33;
	v29 =	vadd.bf16 v32, v29;
	v19 =	vld [tilespmem:s31+$0xE5C0]  }
0xd1: {  	v24 =	vadd.bf16 v24, v20;
	v28 =	vadd.bf16 v30, v28;
	v20 =	vld [tilespmem:s31+$0x81D0]  }
0xd2: {  	v31 =	vadd.bf16 v34, v37;
	v59 =	vadd.bf16 v21, v58;
	v21 =	vld [tilespmem:s31+$0xE5D0]  }
0xd3: {  	v30 =	vadd.bf16 v25, v22;
	v60 =	vunpack.i.u.bf16.f32 v23;
	v61 =	vunpack.i.l.bf16.f32 v23;
	v22 =	vld [tilespmem:s31+$0x8160]  }
0xd4: {  	v62 =	vunpack.i.u.bf16.f32 v29;
	v63 =	vunpack.i.u.bf16.f32 v24;
	v44 =	vunpack.i.l.bf16.f32 v24;
	v23 =	vld [tilespmem:s31+$0xE560]  }
0xd5: {  	v29 =	vunpack.i.l.bf16.f32 v29;
	v38 =	vunpack.i.u.bf16.f32 v28;
	v27 =	vadd.bf16 v31, v27;
	v24 =	vld [tilespmem:s31+$0x8170]  }
0xd6: {  	v33 =	vadd.f32 v61, v60;
	v31 =	vunpack.i.u.bf16.f32 v26;
	v26 =	vunpack.i.l.bf16.f32 v26;
	v25 =	vld [tilespmem:s31+$0xE570]  }
0xd7: {  	v31 =	vadd.f32 v26, v31;
	v39 =	vunpack.i.u.bf16.f32 v27;
	v27 =	vunpack.i.l.bf16.f32 v27;
	v26 =	vld [tilespmem:s31+$0x8180]  }
0xd8: {  	v28 =	vunpack.i.l.bf16.f32 v28;
	v36 =	vadd.f32 v44, v63;
	v45 =	vadd.f32 v27, v39;
	v27 =	vld [tilespmem:s31+$0xE580]  }
0xd9: {  	v29 =	vadd.f32 v29, v62;
	v40 =	vunpack.i.u.bf16.f32 v59;
	v32 =	vunpack.i.l.bf16.f32 v59;
	v35 =	vld [tilespmem:s31+$0x8190]  }
0xda: {  	v46 =	vunpack.i.u.bf16.f32 v30;
	v30 =	vunpack.i.l.bf16.f32 v30;
	v28 =	vadd.f32 v28, v38;
	v39 =	vld [tilespmem:s31+$0xE590]  }
0xdb: {  	v30 =	vadd.f32 v30, v46;
	v49 =	vperm.xlane v36, v0;
	v41 =	vperm.xlane v33, v0;
	v42 =	vld [tilespmem:s31+$0x8120]  }
0xdc: {  	v32 =	vadd.f32 v32, v40;
	v43 =	vperm.xlane v29, v0;
	v52 =	vperm.xlane v28, v0;
	v44 =	vld [tilespmem:s31+$0xE520]  }
0xdd: {  	v48 =	vperm.xlane v31, v0;
	v50 =	vperm.xlane v30, v0;
	v36 =	vadd.f32 v49, v36;
	v38 =	vld [tilespmem:s31+$0x8130]  }
0xde: {  	v33 =	vadd.f32 v41, v33;
	v29 =	vadd.f32 v43, v29;
	v47 =	vperm.xlane v45, v0;
	v37 =	vld [tilespmem:s31+$0xE530]  }
0xdf: {  	v28 =	vadd.f32 v52, v28;
	v30 =	vadd.f32 v50, v30;
	v55 =	vperm.xlane v36, v1;
	v43 =	vld [tilespmem:s31+$0x8140]  }
0xe0: {  	v58 =	vperm.xlane v29, v1;
	v34 =	vadd.f32 v47, v45;
	v45 =	vperm.xlane v32, v0;
	v46 =	vld [tilespmem:s31+$0xE540]  }
0xe1: {  	v31 =	vadd.f32 v48, v31;
	v53 =	vperm.xlane v30, v1;
	v47 =	vperm.xlane v33, v1;
	v48 =	vld [tilespmem:s31+$0x8150]  }
0xe2: {  	v29 =	vadd.f32 v58, v29;
	v51 =	vperm.xlane v34, v1;
	v32 =	vadd.f32 v45, v32;
	v50 =	vld [tilespmem:s31+$0xE550]  }
0xe3: {  	v54 =	vperm.xlane v31, v1;
	v30 =	vadd.f32 v53, v30;
	v33 =	vadd.f32 v47, v33;
	v45 =	vld [tilespmem:s31+$0x80E0]  }
0xe4: {  	v41 =	vld [tilespmem:s31+$0xE4E0];
	v62 =	vperm.xlane v29, v2;
	v34 =	vadd.f32 v51, v34;
	v56 =	vperm.xlane v32, v1  }
0xe5: {  	v36 =	vadd.f32 v55, v36;
	v40 =	vld [tilespmem:s31+$0x80F0];
	v51 =	vperm.xlane v28, v1;
	v57 =	vperm.xlane v30, v2  }
0xe6: {  	v31 =	vadd.f32 v54, v31;
	v52 =	vld [tilespmem:s31+$0xE4F0];
	v55 =	vperm.xlane v33, v2;
	v49 =	vperm.xlane v34, v2  }
0xe7: {  	v54 =	vld [tilespmem:s31+$0x8100];
	v29 =	vadd.f32 v62, v29;
	v14 =	vmul.bf16 v16, v14;
	v10 =	vmul.bf16 v10, v7  }
0xe8: {  	v47 =	vld [tilespmem:s31+$0xE500];
	v32 =	vadd.f32 v56, v32;
	v15 =	vmul.bf16 v15, v6;
	v18 =	vmul.bf16 v18, v13  }
0xe9: {  	v62 =	vld [tilespmem:s31+$0xE4B0];
	v28 =	vadd.f32 v51, v28;
	v17 =	vmul.bf16 v19, v17;
	v20 =	vmul.bf16 v21, v20  }
0xea: {  	v56 =	vld [tilespmem:s31+$0x8110];
	v21 =	vmul.bf16 v23, v22;
	v23 =	vmul.bf16 v25, v24;
	v34 =	vadd.f32 v49, v34  }
0xeb: {  	v30 =	vadd.f32 v57, v30;
	v57 =	vld [tilespmem:s31+$0xE510];
	v24 =	vmul.bf16 v27, v26;
	v25 =	vmul.bf16 v39, v35  }
0xec: {  	v51 =	vld [tilespmem:s31+$0xE4A0];
	v33 =	vadd.f32 v55, v33;
	v60 =	vperm.xlane v32, v2;
	v59 =	vperm.xlane v34, v3  }
0xed: {  	v55 =	vld [tilespmem:s31+$0x80C0];
	v27 =	vmul.bf16 v44, v42;
	v53 =	vperm.xlane v28, v2;
	v15 =	vadd.bf16 v18, v15  }
0xee: {  	v16 =	vld [tilespmem:s31+$0xE4D0];
	v61 =	vperm.xlane v30, v3;
	v32 =	vadd.f32 v60, v32;
	v34 =	vadd.f32 v59, v34  }
0xef: {  	v13 =	vld [tilespmem:s31+$0xE470];
	v40 =	vmul.bf16 v52, v40;
	v18 =	vadd.bf16 v20, v17;
	v28 =	vadd.f32 v53, v28  }
0xf0: {  	v19 =	vld [tilespmem:s31+$0xE480];
	v30 =	vadd.f32 v61, v30;
	v63 =	vperm.xlane v32, v3;
	v34 =	vsub.f32 v4, v34  }
0xf1: {  	v22 =	vld [tilespmem:s31+$0x8090];
	v17 =	vadd.bf16 v25, v24;
	v60 =	vperm.xlane v36, v2;
	v58 =	vperm.xlane v28, v3  }
0xf2: {  	v26 =	vld [tilespmem:s31+$0xE490];
	v30 =	vsub.f32 v4, v30;
	v32 =	vadd.f32 v63, v32;
	v34 =	vmax.f32 v34, $0.0e+00  }
0xf3: {  	v52 =	vld [tilespmem:s31+$0x8030];
	v61 =	vperm.xlane v29, v3;
	v36 =	vadd.f32 v60, v36;
	v5 =	vadd.f32 v34, v5  }
0xf4: {  	v25 =	vld [tilespmem:s31+$0x8050];
	v30 =	vmax.f32 v30, $0.0e+00;
	v28 =	vadd.f32 v58, v28;
	v32 =	vsub.f32 v4, v32  }
0xf5: {  	v49 =	vperm.xlane v31, v2;
	v53 =	vld [tilespmem:s31+$0x80B0];
	v29 =	vadd.f32 v61, v29;
	v5 =	vadd.f32 v30, v5  }
0xf6: {  	v59 =	vld [tilespmem:s31+$0x80A0];
	v28 =	vsub.f32 v4, v28;
	v32 =	vmax.f32 v32, $0.0e+00;
	v30 =	vperm.xlane v36, v3  }
0xf7: {  	v35 =	vmul.bf16 v46, v43;
	v31 =	vadd.f32 v49, v31;
	v61 =	vld [tilespmem:s31+$0xE430];
	v5 =	vadd.f32 v32, v5  }
0xf8: {  	v63 =	vld [tilespmem:s31+$0x80D0];
	v7 =	vsub.f32 v4, v29;
	v28 =	vmax.f32 v28, $0.0e+00;
	v30 =	vadd.f32 v30, v36  }
0xf9: {  	v29 =	vmul.bf16 v12, v9;
	v9 =	vld [tilespmem:s31+$0xE460];
	v5 =	vadd.f32 v28, v5;
	v28 =	vperm.xlane v33, v3  }
0xfa: {  	v54 =	vmul.bf16 v47, v54;
	v6 =	vmax.f32 v7, $0.0e+00;
	v7 =	vsub.f32 v4, v30;
	v30 =	vld [tilespmem:s31+$0x8080]  }
0xfb: {  	v49 =	vmul.bf16 v11, v8;
	v11 =	vperm.xlane v31, v3;
	v34 =	vld [tilespmem:s31+$0xE4C0];
	v8 =	vadd.f32 v28, v33  }
0xfc: {  	v60 =	vmul.bf16 v57, v56;
	v36 =	vld [tilespmem:s31+$0x8060];
	v5 =	vadd.f32 v6, v5;
	v6 =	vmax.f32 v7, $0.0e+00  }
0xfd: {  	v28 =	vld [tilespmem:s31+$0x8070];
	v7 =	vsub.f32 v4, v8;
	v8 =	vadd.f32 v11, v31;
	v31 =	vmul.bf16 v37, v38  }
0xfe: {  	v33 =	vld [tilespmem:s31+$0x8020];
	v37 =	vmul.bf16 v50, v48;
	v50 =	vmul.bf16 v41, v45  }
0xff: {  	v24 =	vadd.bf16 v60, v54;
	v48 =	vld [tilespmem:s31+$0xE420];
	v11 =	vmul.bf16 v16, v63;
	v16 =	vmul.bf16 v19, v30  }
0x100: {  	v5 =	vadd.f32 v6, v5;
	v63 =	vld [tilespmem:s31+$0xE440];
	v19 =	vmul.bf16 v26, v22;
	v26 =	vmul.bf16 v61, v52  }
0x101: {  	v6 =	vmax.f32 v7, $0.0e+00;
	v8 =	vsub.f32 v4, v8;
	v7 =	vmul.bf16 v62, v53;
	v62 =	vld [tilespmem:s31+$0x8040]  }
0x102: {  	v20 =	vadd.bf16 v31, v27;
	v27 =	vld [tilespmem:s31+$0xE450];
	v5 =	vadd.f32 v6, v5;
	v6 =	vmul.bf16 v51, v59  }
0x103: {  	v13 =	vmul.bf16 v13, v28;
	v12 =	vmax.f32 v8, $0.0e+00;
	v8 =	vmul.bf16 v34, v55  }
0x104: {  	v5 =	vadd.f32 v12, v5;
	v12 =	vmul.bf16 v9, v36;
	v9 =	vadd.bf16 v10, v14  }
0x105: {  	v10 =	vadd.bf16 v29, v49;
	v22 =	vmul.bf16 v48, v33;
	v14 =	vadd.bf16 v23, v21  }
0x106: {  	s24 =	simm.s32 $0x800;
	v23 =	vadd.bf16 v37, v35;
	v21 =	vadd.bf16 v40, v50;
	v28 =	vmul.bf16 v63, v62  }
.LBB2_5:
0x107: {  	s25 =	sshra.s32 s24, $0x2;
	p1 =	sne.s32 s24, $0xC000;
	v25 =	vmul.bf16 v27, v25;
	v27 =	vadd.bf16 v7, v6;
	v11 =	vadd.bf16 v11, v8  }
0x108: {  	v12 =	vadd.bf16 v13, v12;
	v13 =	vadd.bf16 v19, v16;
	v6 =	vld [tilespmem:s25+$0x81E0]  }
0x109: {  	v16 =	vadd.bf16 v26, v22;
	v7 =	vld [tilespmem:s25+$0xE5E0];
	v19 =	vadd.bf16 v25, v28  }
0x10a: {  	v15 =	vadd.bf16 v18, v15;
	v18 =	vadd.bf16 v10, v9;
	v8 =	vld [tilespmem:s25+$0x81F0]  }
0x10b: {  	v20 =	vadd.bf16 v23, v20;
	v14 =	vadd.bf16 v17, v14;
	v9 =	vld [tilespmem:s25+$0xE5F0]  }
0x10c: {  	v21 =	vadd.bf16 v24, v21;
	v17 =	vadd.bf16 v11, v27;
	v10 =	vld [tilespmem:s25+$0x8200]  }
0x10d: {  	v22 =	vadd.bf16 v13, v12;
	v23 =	vunpack.i.u.bf16.f32 v18;
	v19 =	vadd.bf16 v19, v16;
	v11 =	vld [tilespmem:s25+$0xE600]  }
0x10e: {  	v24 =	vunpack.i.u.bf16.f32 v15;
	v25 =	vunpack.i.l.bf16.f32 v15;
	v18 =	vunpack.i.l.bf16.f32 v18;
	v12 =	vld [tilespmem:s25+$0x8210]  }
0x10f: {  	v26 =	vunpack.i.u.bf16.f32 v20;
	v27 =	vunpack.i.u.bf16.f32 v14;
	v28 =	vunpack.i.l.bf16.f32 v14;
	v13 =	vld [tilespmem:s25+$0xE610]  }
0x110: {  	v20 =	vunpack.i.l.bf16.f32 v20;
	v29 =	vunpack.i.u.bf16.f32 v21;
	v21 =	vunpack.i.l.bf16.f32 v21;
	v14 =	vld [tilespmem:s25+$0x81A0]  }
0x111: {  	v31 =	vunpack.i.u.bf16.f32 v17;
	v32 =	vunpack.i.l.bf16.f32 v17;
	v30 =	vunpack.i.u.bf16.f32 v19;
	v15 =	vld [tilespmem:s25+$0xE5A0]  }
0x112: {  	v24 =	vadd.f32 v25, v24;
	v23 =	vadd.f32 v18, v23;
	v19 =	vunpack.i.l.bf16.f32 v19;
	v16 =	vld [tilespmem:s25+$0x81B0]  }
0x113: {  	v27 =	vadd.f32 v28, v27;
	v25 =	vadd.f32 v19, v30;
	v30 =	vunpack.i.u.bf16.f32 v22;
	v17 =	vld [tilespmem:s25+$0xE5B0]  }
0x114: {  	v26 =	vadd.f32 v20, v26;
	v28 =	vadd.f32 v21, v29;
	v22 =	vunpack.i.l.bf16.f32 v22;
	v18 =	vld [tilespmem:s25+$0x81C0]  }
0x115: {  	v33 =	vperm.xlane v23, v0;
	v30 =	vadd.f32 v22, v30;
	v29 =	vperm.xlane v25, v0;
	v19 =	vld [tilespmem:s25+$0xE5C0]  }
0x116: {  	v31 =	vadd.f32 v32, v31;
	v32 =	vperm.xlane v27, v0;
	v34 =	vperm.xlane v24, v0;
	v20 =	vld [tilespmem:s25+$0x81D0]  }
0x117: {  	v35 =	vperm.xlane v26, v0;
	v29 =	vadd.f32 v29, v25;
	v25 =	vperm.xlane v30, v0;
	v21 =	vld [tilespmem:s25+$0xE5D0]  }
0x118: {  	v36 =	vperm.xlane v31, v0;
	v34 =	vadd.f32 v34, v24;
	v33 =	vadd.f32 v33, v23;
	v22 =	vld [tilespmem:s25+$0x8160]  }
0x119: {  	v32 =	vadd.f32 v32, v27;
	v37 =	vperm.xlane v29, v1;
	v30 =	vadd.f32 v25, v30;
	v23 =	vld [tilespmem:s25+$0xE560]  }
0x11a: {  	v27 =	vperm.xlane v28, v0;
	v35 =	vadd.f32 v35, v26;
	v31 =	vadd.f32 v36, v31;
	v24 =	vld [tilespmem:s25+$0x8170]  }
0x11b: {  	v36 =	vadd.f32 v37, v29;
	v29 =	vperm.xlane v30, v1;
	v37 =	vperm.xlane v33, v1;
	v25 =	vld [tilespmem:s25+$0xE570]  }
0x11c: {  	v38 =	vadd.f32 v27, v28;
	v39 =	vperm.xlane v32, v1;
	v40 =	vperm.xlane v34, v1;
	v26 =	vld [tilespmem:s25+$0x8180]  }
0x11d: {  	v41 =	vperm.xlane v36, v2;
	v42 =	vadd.f32 v29, v30;
	v30 =	vperm.xlane v31, v1;
	v27 =	vld [tilespmem:s25+$0xE580]  }
0x11e: {  	v43 =	vperm.xlane v38, v1;
	v34 =	vadd.f32 v40, v34;
	v33 =	vadd.f32 v37, v33;
	v28 =	vld [tilespmem:s25+$0x8190]  }
0x11f: {  	v36 =	vadd.f32 v41, v36;
	v37 =	vperm.xlane v42, v2;
	v40 =	vadd.f32 v30, v31;
	v29 =	vld [tilespmem:s25+$0xE590]  }
0x120: {  	v32 =	vadd.f32 v39, v32;
	v38 =	vadd.f32 v43, v38;
	v41 =	vperm.xlane v35, v1;
	v30 =	vld [tilespmem:s25+$0x8120]  }
0x121: {  	v39 =	vperm.xlane v36, v3;
	v37 =	vadd.f32 v37, v42;
	v42 =	vperm.xlane v40, v2;
	v31 =	vld [tilespmem:s25+$0xE520]  }
0x122: {  	v44 =	vperm.xlane v38, v2;
	v35 =	vadd.f32 v41, v35;
	v41 =	vperm.xlane v33, v2;
	v43 =	vld [tilespmem:s25+$0x8130]  }
0x123: {  	v36 =	vadd.f32 v39, v36;
	v39 =	vperm.xlane v37, v3;
	v40 =	vadd.f32 v42, v40;
	v45 =	vld [tilespmem:s25+$0xE530]  }
0x124: {  	v46 =	vperm.xlane v34, v2;
	v38 =	vadd.f32 v44, v38;
	v44 =	vperm.xlane v35, v2;
	v42 =	vld [tilespmem:s25+$0x8140]  }
0x125: {  	v36 =	vsub.f32 v4, v36;
	v37 =	vadd.f32 v39, v37;
	v39 =	vperm.xlane v40, v3;
	v47 =	vld [tilespmem:s25+$0xE540]  }
0x126: {  	v49 =	vperm.xlane v38, v3;
	v35 =	vadd.f32 v44, v35;
	v44 =	vperm.xlane v32, v2;
	v48 =	vld [tilespmem:s25+$0x8150]  }
0x127: {  	v36 =	vmax.f32 v36, $0.0e+00;
	v37 =	vsub.f32 v4, v37;
	v39 =	vadd.f32 v39, v40;
	v50 =	vld [tilespmem:s25+$0xE550]  }
0x128: {  	v32 =	vadd.f32 v44, v32;
	v5 =	vadd.f32 v36, v5;
	v36 =	vperm.xlane v35, v3;
	v40 =	vld [tilespmem:s25+$0x80E0]  }
0x129: {  	v38 =	vadd.f32 v49, v38;
	v37 =	vmax.f32 v37, $0.0e+00;
	v39 =	vsub.f32 v4, v39;
	v44 =	vld [tilespmem:s25+$0xE4E0]  }
0x12a: {  	v34 =	vadd.f32 v46, v34;
	v5 =	vadd.f32 v37, v5;
	v37 =	vperm.xlane v32, v3;
	v49 =	vld [tilespmem:s25+$0x80F0]  }
0x12b: {  	v38 =	vsub.f32 v4, v38;
	v35 =	vadd.f32 v36, v35;
	v39 =	vmax.f32 v39, $0.0e+00;
	v46 =	vld [tilespmem:s25+$0xE4F0]  }
0x12c: {  	v33 =	vadd.f32 v41, v33;
	v5 =	vadd.f32 v39, v5;
	v39 =	vperm.xlane v34, v3;
	v36 =	vld [tilespmem:s25+$0x8100]  }
0x12d: {  	v38 =	vmax.f32 v38, $0.0e+00;
	v35 =	vsub.f32 v4, v35;
	v32 =	vadd.f32 v37, v32;
	v41 =	vld [tilespmem:s25+$0xE500]  }
0x12e: {  	v5 =	vadd.f32 v38, v5;
	v38 =	vperm.xlane v33, v3;
	v37 =	vld [tilespmem:s25+$0x8110]  }
0x12f: {  	v35 =	vmax.f32 v35, $0.0e+00;
	v32 =	vsub.f32 v4, v32;
	v34 =	vadd.f32 v39, v34;
	v51 =	vld [tilespmem:s25+$0xE510]  }
0x130: {  	v5 =	vadd.f32 v35, v5;
	v39 =	vld [tilespmem:s25+$0x80A0]  }
0x131: {  	v32 =	vmax.f32 v32, $0.0e+00;
	v34 =	vsub.f32 v4, v34;
	v33 =	vadd.f32 v38, v33;
	v35 =	vld [tilespmem:s25+$0xE4A0]  }
0x132: {  	v5 =	vadd.f32 v32, v5;
	v38 =	vld [tilespmem:s25+$0x80B0]  }
0x133: {  	v34 =	vmax.f32 v34, $0.0e+00;
	v33 =	vsub.f32 v4, v33;
	v32 =	vld [tilespmem:s25+$0xE4B0]  }
0x134: {  	v5 =	vadd.f32 v34, v5;
	v52 =	vld [tilespmem:s25+$0x80C0]  }
0x135: {  	v33 =	vmax.f32 v33, $0.0e+00;
	v34 =	vld [tilespmem:s25+$0xE4C0]  }
0x136: {  	v5 =	vadd.f32 v33, v5;
	v53 =	vld [tilespmem:s25+$0x80D0]  }
0x137: {  	v33 =	vld [tilespmem:s25+$0xE4D0]  }
0x138: {  	v54 =	vld [tilespmem:s25+$0x8060]  }
0x139: {  	v55 =	vld [tilespmem:s25+$0xE460]  }
0x13a: {  	v57 =	vmul.bf16 v7, v6;
	v9 =	vmul.bf16 v9, v8;
	v56 =	vld [tilespmem:s25+$0x8070]  }
0x13b: {  	v10 =	vmul.bf16 v11, v10;
	v59 =	vmul.bf16 v13, v12;
	v58 =	vld [tilespmem:s25+$0xE470]  }
0x13c: {  	v14 =	vmul.bf16 v15, v14;
	v15 =	vmul.bf16 v17, v16;
	v60 =	vld [tilespmem:s25+$0x8080]  }
0x13d: {  	v17 =	vmul.bf16 v19, v18;
	v18 =	vmul.bf16 v21, v20;
	v16 =	vld [tilespmem:s25+$0xE480]  }
0x13e: {  	v20 =	vmul.bf16 v23, v22;
	v21 =	vmul.bf16 v25, v24;
	v19 =	vld [tilespmem:s25+$0x8090]  }
0x13f: {  	v23 =	vmul.bf16 v27, v26;
	v24 =	vmul.bf16 v29, v28;
	v22 =	vld [tilespmem:s25+$0xE490]  }
0x140: {  	v28 =	vmul.bf16 v31, v30;
	v29 =	vmul.bf16 v45, v43;
	v26 =	vld [tilespmem:s25+$0x8020]  }
0x141: {  	v31 =	vmul.bf16 v47, v42;
	v42 =	vmul.bf16 v50, v48;
	v30 =	vld [tilespmem:s25+$0xE420]  }
0x142: {  	v40 =	vmul.bf16 v44, v40;
	v44 =	vmul.bf16 v46, v49;
	v43 =	vld [tilespmem:s25+$0x8030]  }
0x143: {  	v36 =	vmul.bf16 v41, v36;
	v37 =	vmul.bf16 v51, v37;
	v45 =	vld [tilespmem:s25+$0xE430]  }
0x144: {  	v6 =	vmul.bf16 v35, v39;
	v7 =	vmul.bf16 v32, v38;
	v41 =	vld [tilespmem:s25+$0x8040]  }
0x145: {  	v8 =	vmul.bf16 v34, v52;
	v11 =	vmul.bf16 v33, v53;
	v32 =	vld [tilespmem:s25+$0xE440]  }
0x146: {  	v12 =	vmul.bf16 v55, v54;
	v13 =	vmul.bf16 v58, v56;
	v25 =	vld [tilespmem:s25+$0x8050]  }
.Ltmp3:
0x147: {  	v9 =	vadd.bf16 v9, v57;
	v10 =	vadd.bf16 v59, v10;
	v16 =	vmul.bf16 v16, v60;
	v27 =	vld [tilespmem:s25+$0xE450];
	(pc) =	sbr.rel @p1 .LBB2_5-.Ltmp3, $4  }
0x148: {  	v15 =	vadd.bf16 v15, v14;
	v18 =	vadd.bf16 v18, v17;
	v19 =	vmul.bf16 v22, v19  }
0x149: {  	v14 =	vadd.bf16 v21, v20;
	v17 =	vadd.bf16 v24, v23;
	v22 =	vmul.bf16 v30, v26  }
0x14a: {  	v20 =	vadd.bf16 v29, v28;
	v23 =	vadd.bf16 v42, v31;
	v26 =	vmul.bf16 v45, v43  }
0x14b: {  	s24 =	sadd.s32 $0x800, s24;
	v21 =	vadd.bf16 v44, v40;
	v24 =	vadd.bf16 v37, v36;
	v28 =	vmul.bf16 v32, v41  }
0x14c: {  	v6 =	vadd.bf16 v7, v6;
	v7 =	vadd.bf16 v11, v8  }
0x14d: {  	v63 =	vadd.bf16 v13, v12;
	v19 =	vadd.bf16 v19, v16  }
0x14e: {  	v25 =	vmul.bf16 v27, v25;
	v22 =	vadd.bf16 v26, v22;
	v15 =	vadd.bf16 v18, v15  }
0x14f: {  	v9 =	vadd.bf16 v10, v9;
	v26 =	vadd.bf16 v23, v20  }
0x150: {  	v14 =	vadd.bf16 v17, v14;
	v25 =	vadd.bf16 v25, v28  }
0x151: {  	v6 =	vadd.bf16 v7, v6;
	v7 =	vadd.bf16 v24, v21  }
0x152: {  	v8 =	vadd.bf16 v19, v63;
	v27 =	vunpack.i.u.bf16.f32 v9;
	v28 =	vunpack.i.u.bf16.f32 v15  }
0x153: {  	v15 =	vunpack.i.l.bf16.f32 v15;
	v9 =	vunpack.i.l.bf16.f32 v9;
	v29 =	vunpack.i.u.bf16.f32 v26  }
0x154: {  	v17 =	vunpack.i.u.bf16.f32 v14;
	v14 =	vunpack.i.l.bf16.f32 v14;
	v13 =	vadd.f32 v15, v28  }
0x155: {  	v10 =	vunpack.i.l.bf16.f32 v26;
	v9 =	vadd.f32 v9, v27;
	v14 =	vadd.f32 v14, v17  }
0x156: {  	v10 =	vadd.f32 v10, v29;
	v12 =	vadd.bf16 v25, v22  }
0x157: {  	v30 =	vunpack.i.u.bf16.f32 v7;
	v7 =	vunpack.i.l.bf16.f32 v7;
	v32 =	vunpack.i.u.bf16.f32 v6  }
0x158: {  	v6 =	vunpack.i.l.bf16.f32 v6;
	v31 =	vunpack.i.u.bf16.f32 v12;
	v12 =	vunpack.i.l.bf16.f32 v12  }
0x159: {  	v34 =	vunpack.i.u.bf16.f32 v8;
	v8 =	vunpack.i.l.bf16.f32 v8;
	v33 =	vadd.f32 v12, v31  }
0x15a: {  	v8 =	vadd.f32 v8, v34;
	v36 =	vperm.xlane v9, v0;
	v37 =	vperm.xlane v14, v0  }
0x15b: {  	v6 =	vadd.f32 v6, v32;
	v38 =	vperm.xlane v13, v0;
	v35 =	vperm.xlane v33, v0  }
0x15c: {  	v7 =	vadd.f32 v7, v30;
	v40 =	vperm.xlane v10, v0;
	v39 =	vperm.xlane v8, v0  }
0x15d: {  	v41 =	vperm.xlane v6, v0;
	v13 =	vadd.f32 v38, v13;
	v11 =	vadd.f32 v35, v33  }
0x15e: {  	v9 =	vadd.f32 v36, v9;
	v14 =	vadd.f32 v37, v14;
	v43 =	vperm.xlane v7, v0  }
0x15f: {  	v10 =	vadd.f32 v40, v10;
	v8 =	vadd.f32 v39, v8;
	v42 =	vperm.xlane v11, v1  }
0x160: {  	v6 =	vadd.f32 v41, v6;
	v45 =	vperm.xlane v9, v1;
	v46 =	vperm.xlane v14, v1  }
0x161: {  	v17 =	vperm.xlane v13, v1;
	v44 =	vperm.xlane v8, v1;
	v11 =	vadd.f32 v42, v11  }
0x162: {  	v7 =	vadd.f32 v43, v7;
	v51 =	vperm.xlane v10, v1;
	v48 =	vperm.xlane v6, v1  }
0x163: {  	v13 =	vadd.f32 v17, v13;
	v8 =	vadd.f32 v44, v8;
	v47 =	vperm.xlane v11, v2  }
0x164: {  	v49 =	vperm.xlane v7, v1;
	v9 =	vadd.f32 v45, v9;
	v10 =	vadd.f32 v51, v10  }
0x165: {  	v6 =	vadd.f32 v48, v6;
	v50 =	vperm.xlane v8, v2;
	v11 =	vadd.f32 v47, v11  }
0x166: {  	v7 =	vadd.f32 v49, v7;
	v55 =	vperm.xlane v9, v2;
	v57 =	vperm.xlane v10, v2  }
0x167: {  	v53 =	vperm.xlane v6, v2;
	v8 =	vadd.f32 v50, v8;
	v52 =	vperm.xlane v11, v3  }
0x168: {  	v14 =	vadd.f32 v46, v14;
	v58 =	vperm.xlane v13, v2;
	v54 =	vperm.xlane v7, v2  }
0x169: {  	v6 =	vadd.f32 v53, v6;
	v56 =	vperm.xlane v8, v3;
	v11 =	vadd.f32 v52, v11  }
0x16a: {  	v61 =	vperm.xlane v14, v2;
	v10 =	vadd.f32 v57, v10;
	v7 =	vadd.f32 v54, v7  }
0x16b: {  	v59 =	vperm.xlane v6, v3;
	v8 =	vadd.f32 v56, v8;
	v11 =	vsub.f32 v4, v11  }
0x16c: {  	v14 =	vadd.f32 v61, v14;
	v13 =	vadd.f32 v58, v13;
	v60 =	vperm.xlane v7, v3  }
0x16d: {  	v6 =	vadd.f32 v59, v6;
	v8 =	vsub.f32 v4, v8;
	v11 =	vmax.f32 v11, $0.0e+00  }
0x16e: {  	v9 =	vadd.f32 v55, v9;
	v62 =	vperm.xlane v10, v3;
	v5 =	vadd.f32 v11, v5  }
0x16f: {  	v7 =	vadd.f32 v60, v7;
	v6 =	vsub.f32 v4, v6;
	v8 =	vmax.f32 v8, $0.0e+00  }
0x170: {  	v10 =	vadd.f32 v62, v10;
	v5 =	vadd.f32 v8, v5  }
0x171: {  	v63 =	vperm.xlane v14, v3;
	v7 =	vsub.f32 v4, v7;
	v6 =	vmax.f32 v6, $0.0e+00  }
0x172: {  	v10 =	vsub.f32 v4, v10;
	v5 =	vadd.f32 v6, v5  }
0x173: {  	v7 =	vmax.f32 v7, $0.0e+00;
	v8 =	vadd.f32 v63, v14;
	v6 =	vperm.xlane v13, v3  }
0x174: {  	v10 =	vmax.f32 v10, $0.0e+00;
	v5 =	vadd.f32 v7, v5  }
0x175: {  	v8 =	vsub.f32 v4, v8;
	v7 =	vperm.xlane v9, v3;
	v6 =	vadd.f32 v6, v13  }
0x176: {  	v5 =	vadd.f32 v10, v5  }
0x177: {  	v8 =	vmax.f32 v8, $0.0e+00;
	v6 =	vsub.f32 v4, v6;
	v7 =	vadd.f32 v7, v9  }
0x178: {  	v5 =	vadd.f32 v8, v5  }
.Ltmp4:
0x179: {  	v6 =	vmax.f32 v6, $0.0e+00;
	v7 =	vsub.f32 v4, v7;
	(pc) =	sbr.rel @p0 .LBB2_8-.Ltmp4, $3  }
0x17a: {  	v5 =	vadd.f32 v6, v5  }
0x17b: {  	v6 =	vmax.f32 v7, $0.0e+00  }
0x17c: {  	v5 =	vadd.f32 v6, v5;
	_ =	sdelay $0x1  }
0x17d: {  	s24 =	smul.u32 $0x190, s23  }
.Ltmp5:
0x17e: {  	_ = 	snop;
	(pc) =	sbr.rel .LBB2_2-.Ltmp5, $4  }
0x17f: {  	s25 =	sadd.s32 $0x258, s24  }
0x180: {  	[tilespmem:s15], [sflag:$0x2] =	stream.indirect.gather [hbm4b:s0+s12], $0x40, s25, s12, $0xb8;
	[tilespmem:$0x11630] =	vst v63  }
0x181: {  	s23 =	sadd.s32 $0x1, s23;
	s24 =	sadd.s32 $0x2968, s24  }
0x182: {  	[tilespmem:s17], [sflag:$0x4] =	stream.indirect.gather [hbm4b:s0+s12], $0x40, s24, s12, $0xb8;
	[tilespmem:$0x11630] =	vst v63  }
.LBB2_9:
0x183: {  	_ =	sfence.sel $0x180000  }
0x184: {  	[bflag:$0x0] =	sbarrier.arrive $0xFFFF  }
0x185: {  	p0 =	sne.s32 s2, $0x0;
	_ =	strace $0x90000047  }
0x186: {  	s0 =	sadd.s32 @!p0 $0x100000, s4;
	[bflag:$0x2] =	sbarrier.arrive $0xFFFF  }
0x187: {  	[sflag:s0] =	ssyncadd.tile.s32 @!p0 $0x1;
	_ =	shalt  }
.Lfunc_end2:
_tile_overlayer_lowered:
.L_overlay_start_2:
0x188: {  	(tag) =	ssettag $0x2  }
0x189: {  	s0 =	rddreg [dreg:$0x0];
	s2 =	stileid.u32  }
0x18a: {  	s1 =	rddreg [dreg:$0x1];
	p0 =	sne.s32 s2, $0x0  }
0x18b: {  	s3 =	rddreg [dreg:$0x2];
	[bflag:$0x3] =	sbarrier.arrive $0xFFFF;
	s2 =	simm.s32 @!p0 $0x1C05  }
0x18c: {  	[timem:s3], [sflag:s2] =	dma.local @!p0 [hbm:s0], s1  }
0x18d: {  	s0 =	simm.s32 @!p0 $0x5  }
0x18e: {  	_ =	swait.ge @!p0 [sflag:s0], s1  }
0x18f: {  	s1 =	ssub.s32 @!p0 $0x0, s1;
	[sflag:s0] =	ssyncset.done @!p0 $0x0  }
0x190: {  	[sflag:s0] =	ssyncadd.s32 @!p0 s1  }
0x191: {  	[bflag:$0x3] =	sbarrier.arrive $0xFFFF  }
0x192: {  	_ =	shalt  }

</sc_bundles>
